<compile_context>
chip_gen: v7x
topology: tpu7x:2x2x1
jax: 0.10.2.dev20260603
libtpu: 0.0.44.dev20260713+nightly
codegen_flags: <defaults>
</compile_context>

<pallas_src>
import functools
import jax
import jax.numpy as jnp
from jax import lax
from jax.experimental import pallas as pl
from jax.experimental.pallas import tpu as pltpu
from jax.experimental.pallas import tpu_sc as plsc

N = 10000
E = 320000
D = 128
NC = 2
NS = 16
NW = NC * NS
NP = 10240
DK = 80
DC = E // NW // DK
AK = 80
AB = 5
AC = E // NW // AK // AB
RPT = NP // NS
TILE = 2000
GRID = N // TILE


def _mesh():
    return plsc.VectorSubcoreMesh(
        core_axis_name="c", subcore_axis_name="s", num_cores=NC, num_subcores=NS
    )



def _deg_body(dst_hbm, ones_hbm, z_hbm, out_hbm, didx, ones_v, acc, sem):
    cid = lax.axis_index("c")
    sid = lax.axis_index("s")
    wid = cid * NS + sid
    pltpu.sync_copy(ones_hbm, ones_v)
    pltpu.sync_copy(dst_hbm.at[wid], didx)
    pltpu.sync_copy(z_hbm, acc.at[pl.ds(sid * RPT, RPT)])
    plsc.subcore_barrier()

    def step(b, carry):
        def inner(j, c2):
            pltpu.sync_copy(ones_v, acc.at[didx.at[b, j]], add=True)
            return c2
        return lax.fori_loop(0, AC, inner, carry)

    lax.fori_loop(0, AB, step, 0)
    plsc.subcore_barrier()
    pltpu.sync_copy(
        acc.at[pl.ds(sid * RPT, RPT)], out_hbm.at[cid, pl.ds(sid * RPT, RPT)]
    )


def _degrees(dst2d, ones16, z16):
    return pl.kernel(
        _deg_body,
        out_type=jax.ShapeDtypeStruct((NC, NP), jnp.float32),
        mesh=_mesh(),
        scratch_types=[
            pltpu.VMEM((AB, AC, AK), jnp.int32),
            pltpu.VMEM((AK,), jnp.float32),
            pltpu.VMEM_SHARED((NP,), jnp.float32),
            pltpu.SemaphoreType.DMA,
        ],
    )(dst2d, ones16, z16)


def _agg_body(hp_hbm, src_hbm, dst_hbm, z_hbm, out_hbm,
              sidx, didx, rows0, rows1, acc, gsem0, gsem1):
    cid = lax.axis_index("c")
    sid = lax.axis_index("s")
    wid = cid * NS + sid
    pltpu.sync_copy(z_hbm, acc.at[pl.ds(sid * RPT, RPT)])
    plsc.subcore_barrier()

    def block(b, carry):
        pltpu.sync_copy(src_hbm.at[wid, b], sidx)
        pltpu.sync_copy(dst_hbm.at[wid, b], didx)
        pltpu.async_copy(hp_hbm.at[sidx.at[0]], rows0, gsem0)
        pltpu.async_copy(hp_hbm.at[sidx.at[1]], rows1, gsem1)

        def pair(i, c2):
            j0 = 2 * i
            j1 = 2 * i + 1
            pltpu.make_async_copy(hp_hbm.at[sidx.at[j0]], rows0, gsem0).wait()
            pltpu.sync_copy(rows0, acc.at[didx.at[j0]], add=True)

            @pl.when(j0 + 2 < AC)
            def _():
                pltpu.async_copy(hp_hbm.at[sidx.at[j0 + 2]], rows0, gsem0)

            pltpu.make_async_copy(hp_hbm.at[sidx.at[j1]], rows1, gsem1).wait()
            pltpu.sync_copy(rows1, acc.at[didx.at[j1]], add=True)

            @pl.when(j1 + 2 < AC)
            def _():
                pltpu.async_copy(hp_hbm.at[sidx.at[j1 + 2]], rows1, gsem1)

            return c2

        lax.fori_loop(0, AC // 2, pair, carry)
        if AC % 2:
            jt = AC - 1
            pltpu.make_async_copy(hp_hbm.at[sidx.at[jt]], rows0, gsem0).wait()
            pltpu.sync_copy(rows0, acc.at[didx.at[jt]], add=True)
        return carry

    lax.fori_loop(0, AB, block, 0)
    plsc.subcore_barrier()
    pltpu.sync_copy(
        acc.at[pl.ds(sid * RPT, RPT)], out_hbm.at[cid, pl.ds(sid * RPT, RPT)]
    )


def _aggregate(hp, src4d, dst4d, z128):
    return pl.kernel(
        _agg_body,
        out_type=jax.ShapeDtypeStruct((NC, NP, D), jnp.float32),
        mesh=_mesh(),
        scratch_types=[
            pltpu.VMEM((AC, AK), jnp.int32),
            pltpu.VMEM((AC, AK), jnp.int32),
            pltpu.VMEM((AK, D), jnp.float32),
            pltpu.VMEM((AK, D), jnp.float32),
            pltpu.VMEM_SHARED((NP, D), jnp.float32),
            pltpu.SemaphoreType.DMA,
            pltpu.SemaphoreType.DMA,
        ],
    )(hp, src4d, dst4d, z128)



def _tc1_body(deg_ref, x_ref, w_ref, dis_ref, hp_ref):
    deg = deg_ref[0, :, 0] + deg_ref[1, :, 0] + 1.0
    dis = lax.rsqrt(deg)
    h = jnp.dot(x_ref[...], w_ref[...], preferred_element_type=jnp.float32)
    hp_ref[...] = h * dis[:, None]
    dis_ref[...] = jnp.broadcast_to(dis[:, None], (TILE, 8))


def _tc1(degp, x, w1):
    return pl.pallas_call(
        _tc1_body,
        grid=(GRID,),
        in_specs=[
            pl.BlockSpec((NC, TILE, 1), lambda i: (0, i, 0)),
            pl.BlockSpec((TILE, D), lambda i: (i, 0)),
            pl.BlockSpec((D, D), lambda i: (0, 0)),
        ],
        out_specs=[
            pl.BlockSpec((TILE, 8), lambda i: (i, 0)),
            pl.BlockSpec((TILE, D), lambda i: (i, 0)),
        ],
        out_shape=[
            jax.ShapeDtypeStruct((N, 8), jnp.float32),
            jax.ShapeDtypeStruct((N, D), jnp.float32),
        ],
    )(degp, x, w1)


def _tc2_body(agg_ref, hp_ref, dis_ref, b_ref, w_ref, out_ref):
    dis = dis_ref[:, 0][:, None]
    t = (agg_ref[0] + agg_ref[1] + hp_ref[...]) * dis + b_ref[...]
    h = jnp.maximum(t, 0.0)
    out_ref[...] = jnp.dot(h, w_ref[...], preferred_element_type=jnp.float32) * dis


def _tc2(agg, hp, dis8, b1, w2):
    return pl.pallas_call(
        _tc2_body,
        grid=(GRID,),
        in_specs=[
            pl.BlockSpec((NC, TILE, D), lambda i: (0, i, 0)),
            pl.BlockSpec((TILE, D), lambda i: (i, 0)),
            pl.BlockSpec((TILE, 8), lambda i: (i, 0)),
            pl.BlockSpec((1, D), lambda i: (0, 0)),
            pl.BlockSpec((D, D), lambda i: (0, 0)),
        ],
        out_specs=pl.BlockSpec((TILE, D), lambda i: (i, 0)),
        out_shape=jax.ShapeDtypeStruct((N, D), jnp.float32),
    )(agg, hp, dis8, b1, w2)


def _tc3_body(agg_ref, hp_ref, dis_ref, b_ref, w_ref, b3_ref, out_ref):
    dis = dis_ref[:, 0][:, None]
    t = (agg_ref[0] + agg_ref[1] + hp_ref[...]) * dis + b_ref[...]
    h = jnp.maximum(t, 0.0)
    out_ref[...] = (
        jnp.dot(h, w_ref[...], preferred_element_type=jnp.float32) + b3_ref[...]
    )


def _tc3(agg, hp, dis8, b2, w3p, b3p):
    return pl.pallas_call(
        _tc3_body,
        grid=(GRID,),
        in_specs=[
            pl.BlockSpec((NC, TILE, D), lambda i: (0, i, 0)),
            pl.BlockSpec((TILE, D), lambda i: (i, 0)),
            pl.BlockSpec((TILE, 8), lambda i: (i, 0)),
            pl.BlockSpec((1, D), lambda i: (0, 0)),
            pl.BlockSpec((D, 8), lambda i: (0, 0)),
            pl.BlockSpec((1, 8), lambda i: (0, 0)),
        ],
        out_specs=pl.BlockSpec((TILE, 8), lambda i: (i, 0)),
        out_shape=jax.ShapeDtypeStruct((N, 8), jnp.float32),
    )(agg, hp, dis8, b2, w3p, b3p)



def kernel(x, edge_index, W1, b1, W2, b2, W3, b3):
    src4d = edge_index[0].reshape(NW, AB, AC, AK)
    dst4d = edge_index[1].reshape(NW, AB, AC, AK)
    z128 = jnp.zeros((RPT, D), jnp.float32)
    z1 = jnp.zeros((RPT,), jnp.float32)
    ones1 = jnp.ones((AK,), jnp.float32)

    degp = _degrees(dst4d, ones1, z1).reshape(NC, NP, 1)
    dis8, hp1 = _tc1(degp, x, W1)
    agg1 = _aggregate(hp1, src4d, dst4d, z128)
    hp2 = _tc2(agg1, hp1, dis8, b1.reshape(1, D), W2)
    agg2 = _aggregate(hp2, src4d, dst4d, z128)
    w3p = jnp.pad(W3, ((0, 0), (0, 8 - W3.shape[1])))
    b3p = jnp.pad(b3, (0, 8 - b3.shape[0])).reshape(1, 8)
    out = _tc3(agg2, hp2, dis8, b2.reshape(1, D), w3p, b3p)
    return out[:, : W3.shape[1]]

# --- scband reference (transcript-rebuilt; emitter-appended) ---
"""Pipeline reference for scband-minesweeper-gnn-29746943492174 (READ-ONLY COPY).

The authoritative reference and input builder live on the scoring server;
editing this copy changes nothing except your own understanding.
"""

import jax, jax.numpy as jnp
import numpy as np

N = 10000
E = 320000
D_IN = 128
D_H = 128
D_OUT = 2


def setup_inputs(seed: int = 0) -> dict:
    key = jax.random.key(seed)
    k1, k2, k3, k4, k5 = jax.random.split(key, 5)
    x = jax.random.normal(k1, (N, D_IN), dtype=jnp.float32)
    edge_index = jax.random.randint(k2, (2, E), 0, N, dtype=jnp.int32)
    W1 = jax.random.normal(k3, (D_IN, D_H), dtype=jnp.float32) * 0.05
    b1 = jnp.zeros((D_H,), dtype=jnp.float32)
    W2 = jax.random.normal(k4, (D_H, D_H), dtype=jnp.float32) * 0.05
    b2 = jnp.zeros((D_H,), dtype=jnp.float32)
    W3 = jax.random.normal(k5, (D_H, D_OUT), dtype=jnp.float32) * 0.05
    b3 = jnp.zeros((D_OUT,), dtype=jnp.float32)
    return {"x": x, "edge_index": edge_index, "W1": W1, "b1": b1, "W2": W2, "b2": b2, "W3": W3, "b3": b3}


def _gcn_conv(x, edge_index, W, b):
    # PyG GCNConv: add self-loops, symmetric normalization D^-1/2 (A+I) D^-1/2, then aggregate x@W
    loop = jnp.arange(N, dtype=edge_index.dtype)
    src = jnp.concatenate([edge_index[0], loop])
    dst = jnp.concatenate([edge_index[1], loop])
    deg = jnp.zeros((N,), dtype=x.dtype).at[dst].add(1.0)
    deg_inv_sqrt = jnp.where(deg > 0, 1.0 / jnp.sqrt(deg), 0.0)
    norm = deg_inv_sqrt[src] * deg_inv_sqrt[dst]
    h = x @ W
    msg = h[src] * norm[:, None]
    out = jnp.zeros((N, W.shape[1]), dtype=x.dtype).at[dst].add(msg)
    return out + b


def reference(x, edge_index, W1, b1, W2, b2, W3, b3):
    h = jax.nn.relu(_gcn_conv(x, edge_index, W1, b1))
    h = jax.nn.relu(_gcn_conv(h, edge_index, W2, b2))
    return h @ W3 + b3

if __name__ == "__main__":
    import jax
    _d = setup_inputs()
    print(jax.jit(kernel)(*tuple(_d.values())))

</pallas_src>

<mosaic_0001>
#map = affine_map<(d0, d1) -> (0, 0)>
#map1 = affine_map<(d0, d1) -> (0, 0, 0, 0)>
#map2 = affine_map<(d0, d1) -> (0, 0, 0)>
module attributes {stable_mosaic.version = 14 : i64} {
  func.func @_agg_body(%arg0: i32, %arg1: i32, %arg2: memref<10000x128xf32, #tpu.memory_space<hbm>>, %arg3: memref<32x5x25x80xi32, #tpu.memory_space<hbm>>, %arg4: memref<32x5x25x80xi32, #tpu.memory_space<hbm>>, %arg5: memref<640x128xf32, #tpu.memory_space<hbm>>, %arg6: memref<2x10240x128xf32, #tpu.memory_space<hbm>>, %arg7: memref<25x80xi32, #tpu.memory_space<vmem>>, %arg8: memref<25x80xi32, #tpu.memory_space<vmem>>, %arg9: memref<80x128xf32, #tpu.memory_space<vmem>>, %arg10: memref<80x128xf32, #tpu.memory_space<vmem>>, %arg11: memref<10240x128xf32, #tpu.memory_space<vmem_shared>>, %arg12: memref<!tpu.dma_semaphore, #tpu.memory_space<semaphore_mem>>, %arg13: memref<!tpu.dma_semaphore, #tpu.memory_space<semaphore_mem>>) attributes {dimension_semantics = [#tpu.dimension_semantics<core_parallel>, #tpu.dimension_semantics<subcore_parallel>], iteration_bounds = array<i64: 2, 16>, scalar_prefetch = 0 : i64, scratch_operands = 7 : i64, tpu.core_type = #tpu.core_type<sc_vector_subcore>, window_params = [{transform_indices = #map}, {transform_indices = #map1}, {transform_indices = #map1}, {transform_indices = #map}, {transform_indices = #map2}]} {
    %mul3A = arith.constant 16 : i32
    %mul3A_0 = arith.muli %arg0, %mul3A : i32
    %add3A = arith.addi %mul3A_0, %arg1 : i32
    %mul3A_1 = arith.constant 640 : i32
    %mul3A_2 = arith.muli %arg1, %mul3A_1 : i32
    "tpu.region"() ({
      %run_scoped3A = tpu.sem_alloc : memref<!tpu.dma_semaphore, #tpu.memory_space<semaphore_mem>>
      %dma_start3A = arith.constant 0 : i32
      %dma_start3A_13 = tpu.memref_slice %arg11[%mul3A_2, %dma_start3A] : memref<10240x128xf32, #tpu.memory_space<vmem_shared>> -> memref<640x128xf32, #tpu.memory_space<vmem_shared>>
      tpu.enqueue_dma source(%arg5 : memref<640x128xf32, #tpu.memory_space<hbm>>) target(%dma_start3A_13 : memref<640x128xf32, #tpu.memory_space<vmem_shared>>) target_semaphore(%run_scoped3A : memref<!tpu.dma_semaphore, #tpu.memory_space<semaphore_mem>>)
      %dma_wait3A = arith.constant 0 : i32
      %dma_wait3A_14 = tpu.memref_slice %arg11[%mul3A_2, %dma_wait3A] : memref<10240x128xf32, #tpu.memory_space<vmem_shared>> -> memref<640x128xf32, #tpu.memory_space<vmem_shared>>
      tpu.wait_dma2 semaphore(%run_scoped3A : memref<!tpu.dma_semaphore, #tpu.memory_space<semaphore_mem>>) src(%arg5 : memref<640x128xf32, #tpu.memory_space<hbm>>) dst(%dma_wait3A_14 : memref<640x128xf32, #tpu.memory_space<vmem_shared>>)
      tpu.yield
    }) : () -> ()
    %barrier3A = arith.constant 0 : index
    tpu.barrier barrier_id(%barrier3A)
    %scan3A = arith.constant 0 : i32
    %scan3A_3 = arith.constant 0 : i32
    %scan3A_4 = arith.constant 5 : i32
    %scan3A_5 = arith.addi %scan3A_3, %scan3A_4 : i32
    %scan3A_6 = arith.constant 1 : i32
    scf.for %scan3A_13 = %scan3A_3 to %scan3A_5 step %scan3A_6  : i32 {
      "tpu.region"() ({
        %run_scoped3A_38 = tpu.sem_alloc : memref<!tpu.dma_semaphore, #tpu.memory_space<semaphore_mem>>
        %dma_start3A_39 = arith.constant 0 : i32
        %dma_start3A_40 = arith.constant 0 : i32
        %dma_start3A_41 = tpu.memref_slice %arg3[%add3A, %scan3A_13, %dma_start3A_39, %dma_start3A_40] : memref<32x5x25x80xi32, #tpu.memory_space<hbm>> -> memref<1x1x25x80xi32, #tpu.memory_space<hbm>>
        %dma_start3A_42 = tpu.memref_squeeze %dma_start3A_41 : memref<1x1x25x80xi32, #tpu.memory_space<hbm>> -> memref<25x80xi32, #tpu.memory_space<hbm>>
        %dma_start3A_43 = arith.constant 0 : i32
        %dma_start3A_44 = arith.constant 0 : i32
        %dma_start3A_45 = tpu.memref_slice %arg3[%add3A, %scan3A_13, %dma_start3A_43, %dma_start3A_44] : memref<32x5x25x80xi32, #tpu.memory_space<hbm>> -> memref<1x1x25x80xi32, #tpu.memory_space<hbm>>
        %dma_start3A_46 = tpu.memref_squeeze %dma_start3A_45 : memref<1x1x25x80xi32, #tpu.memory_space<hbm>> -> memref<25x80xi32, #tpu.memory_space<hbm>>
        tpu.enqueue_dma source(%dma_start3A_46 : memref<25x80xi32, #tpu.memory_space<hbm>>) target(%arg7 : memref<25x80xi32, #tpu.memory_space<vmem>>) target_semaphore(%run_scoped3A_38 : memref<!tpu.dma_semaphore, #tpu.memory_space<semaphore_mem>>)
        %dma_wait3A_47 = arith.constant 0 : i32
        %dma_wait3A_48 = arith.constant 0 : i32
        %dma_wait3A_49 = tpu.memref_slice %arg3[%add3A, %scan3A_13, %dma_wait3A_47, %dma_wait3A_48] : memref<32x5x25x80xi32, #tpu.memory_space<hbm>> -> memref<1x1x25x80xi32, #tpu.memory_space<hbm>>
        %dma_wait3A_50 = tpu.memref_squeeze %dma_wait3A_49 : memref<1x1x25x80xi32, #tpu.memory_space<hbm>> -> memref<25x80xi32, #tpu.memory_space<hbm>>
        %dma_wait3A_51 = arith.constant 0 : i32
        %dma_wait3A_52 = arith.constant 0 : i32
        %dma_wait3A_53 = tpu.memref_slice %arg3[%add3A, %scan3A_13, %dma_wait3A_51, %dma_wait3A_52] : memref<32x5x25x80xi32, #tpu.memory_space<hbm>> -> memref<1x1x25x80xi32, #tpu.memory_space<hbm>>
        %dma_wait3A_54 = tpu.memref_squeeze %dma_wait3A_53 : memref<1x1x25x80xi32, #tpu.memory_space<hbm>> -> memref<25x80xi32, #tpu.memory_space<hbm>>
        tpu.wait_dma2 semaphore(%run_scoped3A_38 : memref<!tpu.dma_semaphore, #tpu.memory_space<semaphore_mem>>) src(%dma_wait3A_54 : memref<25x80xi32, #tpu.memory_space<hbm>>) dst(%arg7 : memref<25x80xi32, #tpu.memory_space<vmem>>)
        tpu.yield
      }) : () -> ()
      "tpu.region"() ({
        %run_scoped3A_38 = tpu.sem_alloc : memref<!tpu.dma_semaphore, #tpu.memory_space<semaphore_mem>>
        %dma_start3A_39 = arith.constant 0 : i32
        %dma_start3A_40 = arith.constant 0 : i32
        %dma_start3A_41 = tpu.memref_slice %arg4[%add3A, %scan3A_13, %dma_start3A_39, %dma_start3A_40] : memref<32x5x25x80xi32, #tpu.memory_space<hbm>> -> memref<1x1x25x80xi32, #tpu.memory_space<hbm>>
        %dma_start3A_42 = tpu.memref_squeeze %dma_start3A_41 : memref<1x1x25x80xi32, #tpu.memory_space<hbm>> -> memref<25x80xi32, #tpu.memory_space<hbm>>
        %dma_start3A_43 = arith.constant 0 : i32
        %dma_start3A_44 = arith.constant 0 : i32
        %dma_start3A_45 = tpu.memref_slice %arg4[%add3A, %scan3A_13, %dma_start3A_43, %dma_start3A_44] : memref<32x5x25x80xi32, #tpu.memory_space<hbm>> -> memref<1x1x25x80xi32, #tpu.memory_space<hbm>>
        %dma_start3A_46 = tpu.memref_squeeze %dma_start3A_45 : memref<1x1x25x80xi32, #tpu.memory_space<hbm>> -> memref<25x80xi32, #tpu.memory_space<hbm>>
        tpu.enqueue_dma source(%dma_start3A_46 : memref<25x80xi32, #tpu.memory_space<hbm>>) target(%arg8 : memref<25x80xi32, #tpu.memory_space<vmem>>) target_semaphore(%run_scoped3A_38 : memref<!tpu.dma_semaphore, #tpu.memory_space<semaphore_mem>>)
        %dma_wait3A_47 = arith.constant 0 : i32
        %dma_wait3A_48 = arith.constant 0 : i32
        %dma_wait3A_49 = tpu.memref_slice %arg4[%add3A, %scan3A_13, %dma_wait3A_47, %dma_wait3A_48] : memref<32x5x25x80xi32, #tpu.memory_space<hbm>> -> memref<1x1x25x80xi32, #tpu.memory_space<hbm>>
        %dma_wait3A_50 = tpu.memref_squeeze %dma_wait3A_49 : memref<1x1x25x80xi32, #tpu.memory_space<hbm>> -> memref<25x80xi32, #tpu.memory_space<hbm>>
        %dma_wait3A_51 = arith.constant 0 : i32
        %dma_wait3A_52 = arith.constant 0 : i32
        %dma_wait3A_53 = tpu.memref_slice %arg4[%add3A, %scan3A_13, %dma_wait3A_51, %dma_wait3A_52] : memref<32x5x25x80xi32, #tpu.memory_space<hbm>> -> memref<1x1x25x80xi32, #tpu.memory_space<hbm>>
        %dma_wait3A_54 = tpu.memref_squeeze %dma_wait3A_53 : memref<1x1x25x80xi32, #tpu.memory_space<hbm>> -> memref<25x80xi32, #tpu.memory_space<hbm>>
        tpu.wait_dma2 semaphore(%run_scoped3A_38 : memref<!tpu.dma_semaphore, #tpu.memory_space<semaphore_mem>>) src(%dma_wait3A_54 : memref<25x80xi32, #tpu.memory_space<hbm>>) dst(%arg8 : memref<25x80xi32, #tpu.memory_space<vmem>>)
        tpu.yield
      }) : () -> ()
      %dma_start3A = arith.constant 0 : i32
      %dma_start3A_14 = arith.constant 0 : i32
      %dma_start3A_15 = tpu.memref_slice %arg7[%dma_start3A, %dma_start3A_14] : memref<25x80xi32, #tpu.memory_space<vmem>> -> memref<1x80xi32, #tpu.memory_space<vmem>>
      %dma_start3A_16 = tpu.memref_squeeze %dma_start3A_15 : memref<1x80xi32, #tpu.memory_space<vmem>> -> memref<80xi32, #tpu.memory_space<vmem>>
      %dma_start3A_17 = arith.constant 0 : i32
      %dma_start3A_18 = arith.constant 0 : i32
      %dma_start3A_19 = tpu.memref_slice %arg2[%dma_start3A_17, %dma_start3A_18] : memref<10000x128xf32, #tpu.memory_space<hbm>> -> memref<10000x128xf32, #tpu.memory_space<hbm>>
      tpu.enqueue_indirect_dma source(%dma_start3A_19 : memref<10000x128xf32, #tpu.memory_space<hbm>>) target(%arg9 : memref<80x128xf32, #tpu.memory_space<vmem>>) offsets(%dma_start3A_16 : memref<80xi32, #tpu.memory_space<vmem>>) semaphore(%arg12 : memref<!tpu.dma_semaphore, #tpu.memory_space<semaphore_mem>>)
      %dma_start3A_20 = arith.constant 1 : i32
      %dma_start3A_21 = arith.constant 0 : i32
      %dma_start3A_22 = tpu.memref_slice %arg7[%dma_start3A_20, %dma_start3A_21] : memref<25x80xi32, #tpu.memory_space<vmem>> -> memref<1x80xi32, #tpu.memory_space<vmem>>
      %dma_start3A_23 = tpu.memref_squeeze %dma_start3A_22 : memref<1x80xi32, #tpu.memory_space<vmem>> -> memref<80xi32, #tpu.memory_space<vmem>>
      %dma_start3A_24 = arith.constant 0 : i32
      %dma_start3A_25 = arith.constant 0 : i32
      %dma_start3A_26 = tpu.memref_slice %arg2[%dma_start3A_24, %dma_start3A_25] : memref<10000x128xf32, #tpu.memory_space<hbm>> -> memref<10000x128xf32, #tpu.memory_space<hbm>>
      tpu.enqueue_indirect_dma source(%dma_start3A_26 : memref<10000x128xf32, #tpu.memory_space<hbm>>) target(%arg10 : memref<80x128xf32, #tpu.memory_space<vmem>>) offsets(%dma_start3A_23 : memref<80xi32, #tpu.memory_space<vmem>>) semaphore(%arg13 : memref<!tpu.dma_semaphore, #tpu.memory_space<semaphore_mem>>)
      %scan3A_27 = arith.constant 0 : i32
      %scan3A_28 = arith.constant 12 : i32
      %scan3A_29 = arith.addi %scan3A_27, %scan3A_28 : i32
      %scan3A_30 = arith.constant 1 : i32
      scf.for %scan3A_38 = %scan3A_27 to %scan3A_29 step %scan3A_30  : i32 {
        %mul3A_39 = arith.constant 2 : i32
        %mul3A_40 = arith.muli %mul3A_39, %scan3A_38 : i32
        %mul3A_41 = arith.constant 2 : i32
        %mul3A_42 = arith.muli %mul3A_41, %scan3A_38 : i32
        %add3A_43 = arith.constant 1 : i32
        %add3A_44 = arith.addi %mul3A_42, %add3A_43 : i32
        %dma_wait3A_45 = arith.constant 0 : i32
        %dma_wait3A_46 = tpu.memref_slice %arg7[%mul3A_40, %dma_wait3A_45] : memref<25x80xi32, #tpu.memory_space<vmem>> -> memref<1x80xi32, #tpu.memory_space<vmem>>
        %dma_wait3A_47 = tpu.memref_squeeze %dma_wait3A_46 : memref<1x80xi32, #tpu.memory_space<vmem>> -> memref<80xi32, #tpu.memory_space<vmem>>
        %dma_wait3A_48 = arith.constant 0 : i32
        %dma_wait3A_49 = arith.constant 0 : i32
        %dma_wait3A_50 = tpu.memref_slice %arg2[%dma_wait3A_48, %dma_wait3A_49] : memref<10000x128xf32, #tpu.memory_space<hbm>> -> memref<10000x128xf32, #tpu.memory_space<hbm>>
        tpu.wait_indirect_dma semaphore(%arg12 : memref<!tpu.dma_semaphore, #tpu.memory_space<semaphore_mem>>) src(%dma_wait3A_50 : memref<10000x128xf32, #tpu.memory_space<hbm>>) dst(%arg9 : memref<80x128xf32, #tpu.memory_space<vmem>>)
        "tpu.region"() ({
          %run_scoped3A_68 = tpu.sem_alloc : memref<!tpu.dma_semaphore, #tpu.memory_space<semaphore_mem>>
          %dma_start3A_69 = arith.constant 0 : i32
          %dma_start3A_70 = tpu.memref_slice %arg8[%mul3A_40, %dma_start3A_69] : memref<25x80xi32, #tpu.memory_space<vmem>> -> memref<1x80xi32, #tpu.memory_space<vmem>>
          %dma_start3A_71 = tpu.memref_squeeze %dma_start3A_70 : memref<1x80xi32, #tpu.memory_space<vmem>> -> memref<80xi32, #tpu.memory_space<vmem>>
          %dma_start3A_72 = arith.constant 0 : i32
          %dma_start3A_73 = arith.constant 0 : i32
          %dma_start3A_74 = tpu.memref_slice %arg11[%dma_start3A_72, %dma_start3A_73] : memref<10240x128xf32, #tpu.memory_space<vmem_shared>> -> memref<10240x128xf32, #tpu.memory_space<vmem_shared>>
          tpu.enqueue_indirect_dma source(%arg9 : memref<80x128xf32, #tpu.memory_space<vmem>>) target(%dma_start3A_74 : memref<10240x128xf32, #tpu.memory_space<vmem_shared>>) offsets(%dma_start3A_71 : memref<80xi32, #tpu.memory_space<vmem>>) semaphore(%run_scoped3A_68 : memref<!tpu.dma_semaphore, #tpu.memory_space<semaphore_mem>>) {add = true}
          %dma_wait3A_75 = arith.constant 0 : i32
          %dma_wait3A_76 = tpu.memref_slice %arg8[%mul3A_40, %dma_wait3A_75] : memref<25x80xi32, #tpu.memory_space<vmem>> -> memref<1x80xi32, #tpu.memory_space<vmem>>
          %dma_wait3A_77 = tpu.memref_squeeze %dma_wait3A_76 : memref<1x80xi32, #tpu.memory_space<vmem>> -> memref<80xi32, #tpu.memory_space<vmem>>
          %dma_wait3A_78 = arith.constant 0 : i32
          %dma_wait3A_79 = arith.constant 0 : i32
          %dma_wait3A_80 = tpu.memref_slice %arg11[%dma_wait3A_78, %dma_wait3A_79] : memref<10240x128xf32, #tpu.memory_space<vmem_shared>> -> memref<10240x128xf32, #tpu.memory_space<vmem_shared>>
          tpu.wait_indirect_dma semaphore(%run_scoped3A_68 : memref<!tpu.dma_semaphore, #tpu.memory_space<semaphore_mem>>) src(%arg9 : memref<80x128xf32, #tpu.memory_space<vmem>>) dst(%dma_wait3A_80 : memref<10240x128xf32, #tpu.memory_space<vmem_shared>>)
          tpu.yield
        }) : () -> ()
        %add3A_51 = arith.constant 2 : i32
        %add3A_52 = arith.addi %mul3A_40, %add3A_51 : i32
        %lt3A = arith.constant 25 : i32
        %lt3A_53 = arith.cmpi slt, %add3A_52, %lt3A : i32
        %convert_element_type3A = arith.extui %lt3A_53 : i1 to i32
        %cond3A = arith.constant 0 : i32
        %cond3A_54 = arith.cmpi ne, %convert_element_type3A, %cond3A : i32
        scf.if %cond3A_54 {
          %add3A_68 = arith.constant 2 : i32
          %add3A_69 = arith.addi %mul3A_40, %add3A_68 : i32
          %dma_start3A_70 = arith.constant 0 : i32
          %dma_start3A_71 = tpu.memref_slice %arg7[%add3A_69, %dma_start3A_70] : memref<25x80xi32, #tpu.memory_space<vmem>> -> memref<1x80xi32, #tpu.memory_space<vmem>>
          %dma_start3A_72 = tpu.memref_squeeze %dma_start3A_71 : memref<1x80xi32, #tpu.memory_space<vmem>> -> memref<80xi32, #tpu.memory_space<vmem>>
          %dma_start3A_73 = arith.constant 0 : i32
          %dma_start3A_74 = arith.constant 0 : i32
          %dma_start3A_75 = tpu.memref_slice %arg2[%dma_start3A_73, %dma_start3A_74] : memref<10000x128xf32, #tpu.memory_space<hbm>> -> memref<10000x128xf32, #tpu.memory_space<hbm>>
          tpu.enqueue_indirect_dma source(%dma_start3A_75 : memref<10000x128xf32, #tpu.memory_space<hbm>>) target(%arg9 : memref<80x128xf32, #tpu.memory_space<vmem>>) offsets(%dma_start3A_72 : memref<80xi32, #tpu.memory_space<vmem>>) semaphore(%arg12 : memref<!tpu.dma_semaphore, #tpu.memory_space<semaphore_mem>>)
        } else {
        }
        %dma_wait3A_55 = arith.constant 0 : i32
        %dma_wait3A_56 = tpu.memref_slice %arg7[%add3A_44, %dma_wait3A_55] : memref<25x80xi32, #tpu.memory_space<vmem>> -> memref<1x80xi32, #tpu.memory_space<vmem>>
        %dma_wait3A_57 = tpu.memref_squeeze %dma_wait3A_56 : memref<1x80xi32, #tpu.memory_space<vmem>> -> memref<80xi32, #tpu.memory_space<vmem>>
        %dma_wait3A_58 = arith.constant 0 : i32
        %dma_wait3A_59 = arith.constant 0 : i32
        %dma_wait3A_60 = tpu.memref_slice %arg2[%dma_wait3A_58, %dma_wait3A_59] : memref<10000x128xf32, #tpu.memory_space<hbm>> -> memref<10000x128xf32, #tpu.memory_space<hbm>>
        tpu.wait_indirect_dma semaphore(%arg13 : memref<!tpu.dma_semaphore, #tpu.memory_space<semaphore_mem>>) src(%dma_wait3A_60 : memref<10000x128xf32, #tpu.memory_space<hbm>>) dst(%arg10 : memref<80x128xf32, #tpu.memory_space<vmem>>)
        "tpu.region"() ({
          %run_scoped3A_68 = tpu.sem_alloc : memref<!tpu.dma_semaphore, #tpu.memory_space<semaphore_mem>>
          %dma_start3A_69 = arith.constant 0 : i32
          %dma_start3A_70 = tpu.memref_slice %arg8[%add3A_44, %dma_start3A_69] : memref<25x80xi32, #tpu.memory_space<vmem>> -> memref<1x80xi32, #tpu.memory_space<vmem>>
          %dma_start3A_71 = tpu.memref_squeeze %dma_start3A_70 : memref<1x80xi32, #tpu.memory_space<vmem>> -> memref<80xi32, #tpu.memory_space<vmem>>
          %dma_start3A_72 = arith.constant 0 : i32
          %dma_start3A_73 = arith.constant 0 : i32
          %dma_start3A_74 = tpu.memref_slice %arg11[%dma_start3A_72, %dma_start3A_73] : memref<10240x128xf32, #tpu.memory_space<vmem_shared>> -> memref<10240x128xf32, #tpu.memory_space<vmem_shared>>
          tpu.enqueue_indirect_dma source(%arg10 : memref<80x128xf32, #tpu.memory_space<vmem>>) target(%dma_start3A_74 : memref<10240x128xf32, #tpu.memory_space<vmem_shared>>) offsets(%dma_start3A_71 : memref<80xi32, #tpu.memory_space<vmem>>) semaphore(%run_scoped3A_68 : memref<!tpu.dma_semaphore, #tpu.memory_space<semaphore_mem>>) {add = true}
          %dma_wait3A_75 = arith.constant 0 : i32
          %dma_wait3A_76 = tpu.memref_slice %arg8[%add3A_44, %dma_wait3A_75] : memref<25x80xi32, #tpu.memory_space<vmem>> -> memref<1x80xi32, #tpu.memory_space<vmem>>
          %dma_wait3A_77 = tpu.memref_squeeze %dma_wait3A_76 : memref<1x80xi32, #tpu.memory_space<vmem>> -> memref<80xi32, #tpu.memory_space<vmem>>
          %dma_wait3A_78 = arith.constant 0 : i32
          %dma_wait3A_79 = arith.constant 0 : i32
          %dma_wait3A_80 = tpu.memref_slice %arg11[%dma_wait3A_78, %dma_wait3A_79] : memref<10240x128xf32, #tpu.memory_space<vmem_shared>> -> memref<10240x128xf32, #tpu.memory_space<vmem_shared>>
          tpu.wait_indirect_dma semaphore(%run_scoped3A_68 : memref<!tpu.dma_semaphore, #tpu.memory_space<semaphore_mem>>) src(%arg10 : memref<80x128xf32, #tpu.memory_space<vmem>>) dst(%dma_wait3A_80 : memref<10240x128xf32, #tpu.memory_space<vmem_shared>>)
          tpu.yield
        }) : () -> ()
        %add3A_61 = arith.constant 2 : i32
        %add3A_62 = arith.addi %add3A_44, %add3A_61 : i32
        %lt3A_63 = arith.constant 25 : i32
        %lt3A_64 = arith.cmpi slt, %add3A_62, %lt3A_63 : i32
        %convert_element_type3A_65 = arith.extui %lt3A_64 : i1 to i32
        %cond3A_66 = arith.constant 0 : i32
        %cond3A_67 = arith.cmpi ne, %convert_element_type3A_65, %cond3A_66 : i32
        scf.if %cond3A_67 {
          %add3A_68 = arith.constant 2 : i32
          %add3A_69 = arith.addi %add3A_44, %add3A_68 : i32
          %dma_start3A_70 = arith.constant 0 : i32
          %dma_start3A_71 = tpu.memref_slice %arg7[%add3A_69, %dma_start3A_70] : memref<25x80xi32, #tpu.memory_space<vmem>> -> memref<1x80xi32, #tpu.memory_space<vmem>>
          %dma_start3A_72 = tpu.memref_squeeze %dma_start3A_71 : memref<1x80xi32, #tpu.memory_space<vmem>> -> memref<80xi32, #tpu.memory_space<vmem>>
          %dma_start3A_73 = arith.constant 0 : i32
          %dma_start3A_74 = arith.constant 0 : i32
          %dma_start3A_75 = tpu.memref_slice %arg2[%dma_start3A_73, %dma_start3A_74] : memref<10000x128xf32, #tpu.memory_space<hbm>> -> memref<10000x128xf32, #tpu.memory_space<hbm>>
          tpu.enqueue_indirect_dma source(%dma_start3A_75 : memref<10000x128xf32, #tpu.memory_space<hbm>>) target(%arg10 : memref<80x128xf32, #tpu.memory_space<vmem>>) offsets(%dma_start3A_72 : memref<80xi32, #tpu.memory_space<vmem>>) semaphore(%arg13 : memref<!tpu.dma_semaphore, #tpu.memory_space<semaphore_mem>>)
        } else {
        }
      }
      %scan3A_31 = arith.constant 12 : i32
      %dma_wait3A = arith.constant 24 : i32
      %dma_wait3A_32 = arith.constant 0 : i32
      %dma_wait3A_33 = tpu.memref_slice %arg7[%dma_wait3A, %dma_wait3A_32] : memref<25x80xi32, #tpu.memory_space<vmem>> -> memref<1x80xi32, #tpu.memory_space<vmem>>
      %dma_wait3A_34 = tpu.memref_squeeze %dma_wait3A_33 : memref<1x80xi32, #tpu.memory_space<vmem>> -> memref<80xi32, #tpu.memory_space<vmem>>
      %dma_wait3A_35 = arith.constant 0 : i32
      %dma_wait3A_36 = arith.constant 0 : i32
      %dma_wait3A_37 = tpu.memref_slice %arg2[%dma_wait3A_35, %dma_wait3A_36] : memref<10000x128xf32, #tpu.memory_space<hbm>> -> memref<10000x128xf32, #tpu.memory_space<hbm>>
      tpu.wait_indirect_dma semaphore(%arg12 : memref<!tpu.dma_semaphore, #tpu.memory_space<semaphore_mem>>) src(%dma_wait3A_37 : memref<10000x128xf32, #tpu.memory_space<hbm>>) dst(%arg9 : memref<80x128xf32, #tpu.memory_space<vmem>>)
      %run_scoped3A = arith.constant 24 : i32
      "tpu.region"() ({
        %run_scoped3A_38 = tpu.sem_alloc : memref<!tpu.dma_semaphore, #tpu.memory_space<semaphore_mem>>
        %dma_start3A_39 = arith.constant 0 : i32
        %dma_start3A_40 = tpu.memref_slice %arg8[%run_scoped3A, %dma_start3A_39] : memref<25x80xi32, #tpu.memory_space<vmem>> -> memref<1x80xi32, #tpu.memory_space<vmem>>
        %dma_start3A_41 = tpu.memref_squeeze %dma_start3A_40 : memref<1x80xi32, #tpu.memory_space<vmem>> -> memref<80xi32, #tpu.memory_space<vmem>>
        %dma_start3A_42 = arith.constant 0 : i32
        %dma_start3A_43 = arith.constant 0 : i32
        %dma_start3A_44 = tpu.memref_slice %arg11[%dma_start3A_42, %dma_start3A_43] : memref<10240x128xf32, #tpu.memory_space<vmem_shared>> -> memref<10240x128xf32, #tpu.memory_space<vmem_shared>>
        tpu.enqueue_indirect_dma source(%arg9 : memref<80x128xf32, #tpu.memory_space<vmem>>) target(%dma_start3A_44 : memref<10240x128xf32, #tpu.memory_space<vmem_shared>>) offsets(%dma_start3A_41 : memref<80xi32, #tpu.memory_space<vmem>>) semaphore(%run_scoped3A_38 : memref<!tpu.dma_semaphore, #tpu.memory_space<semaphore_mem>>) {add = true}
        %dma_wait3A_45 = arith.constant 0 : i32
        %dma_wait3A_46 = tpu.memref_slice %arg8[%run_scoped3A, %dma_wait3A_45] : memref<25x80xi32, #tpu.memory_space<vmem>> -> memref<1x80xi32, #tpu.memory_space<vmem>>
        %dma_wait3A_47 = tpu.memref_squeeze %dma_wait3A_46 : memref<1x80xi32, #tpu.memory_space<vmem>> -> memref<80xi32, #tpu.memory_space<vmem>>
        %dma_wait3A_48 = arith.constant 0 : i32
        %dma_wait3A_49 = arith.constant 0 : i32
        %dma_wait3A_50 = tpu.memref_slice %arg11[%dma_wait3A_48, %dma_wait3A_49] : memref<10240x128xf32, #tpu.memory_space<vmem_shared>> -> memref<10240x128xf32, #tpu.memory_space<vmem_shared>>
        tpu.wait_indirect_dma semaphore(%run_scoped3A_38 : memref<!tpu.dma_semaphore, #tpu.memory_space<semaphore_mem>>) src(%arg9 : memref<80x128xf32, #tpu.memory_space<vmem>>) dst(%dma_wait3A_50 : memref<10240x128xf32, #tpu.memory_space<vmem_shared>>)
        tpu.yield
      }) : () -> ()
    }
    %scan3A_7 = arith.constant 5 : i32
    %barrier3A_8 = arith.constant 0 : index
    tpu.barrier barrier_id(%barrier3A_8)
    %mul3A_9 = arith.constant 640 : i32
    %mul3A_10 = arith.muli %arg1, %mul3A_9 : i32
    %mul3A_11 = arith.constant 640 : i32
    %mul3A_12 = arith.muli %arg1, %mul3A_11 : i32
    "tpu.region"() ({
      %run_scoped3A = tpu.sem_alloc : memref<!tpu.dma_semaphore, #tpu.memory_space<semaphore_mem>>
      %dma_start3A = arith.constant 0 : i32
      %dma_start3A_13 = tpu.memref_slice %arg6[%arg0, %mul3A_12, %dma_start3A] : memref<2x10240x128xf32, #tpu.memory_space<hbm>> -> memref<1x640x128xf32, #tpu.memory_space<hbm>>
      %dma_start3A_14 = tpu.memref_squeeze %dma_start3A_13 : memref<1x640x128xf32, #tpu.memory_space<hbm>> -> memref<640x128xf32, #tpu.memory_space<hbm>>
      %dma_start3A_15 = arith.constant 0 : i32
      %dma_start3A_16 = tpu.memref_slice %arg11[%mul3A_10, %dma_start3A_15] : memref<10240x128xf32, #tpu.memory_space<vmem_shared>> -> memref<640x128xf32, #tpu.memory_space<vmem_shared>>
      tpu.enqueue_dma source(%dma_start3A_16 : memref<640x128xf32, #tpu.memory_space<vmem_shared>>) target(%dma_start3A_14 : memref<640x128xf32, #tpu.memory_space<hbm>>) target_semaphore(%run_scoped3A : memref<!tpu.dma_semaphore, #tpu.memory_space<semaphore_mem>>)
      %dma_wait3A = arith.constant 0 : i32
      %dma_wait3A_17 = tpu.memref_slice %arg6[%arg0, %mul3A_12, %dma_wait3A] : memref<2x10240x128xf32, #tpu.memory_space<hbm>> -> memref<1x640x128xf32, #tpu.memory_space<hbm>>
      %dma_wait3A_18 = tpu.memref_squeeze %dma_wait3A_17 : memref<1x640x128xf32, #tpu.memory_space<hbm>> -> memref<640x128xf32, #tpu.memory_space<hbm>>
      %dma_wait3A_19 = arith.constant 0 : i32
      %dma_wait3A_20 = tpu.memref_slice %arg11[%mul3A_10, %dma_wait3A_19] : memref<10240x128xf32, #tpu.memory_space<vmem_shared>> -> memref<640x128xf32, #tpu.memory_space<vmem_shared>>
      tpu.wait_dma2 semaphore(%run_scoped3A : memref<!tpu.dma_semaphore, #tpu.memory_space<semaphore_mem>>) src(%dma_wait3A_20 : memref<640x128xf32, #tpu.memory_space<vmem_shared>>) dst(%dma_wait3A_18 : memref<640x128xf32, #tpu.memory_space<hbm>>)
      tpu.yield
    }) : () -> ()
    return
  }
}

#map = affine_map<(d0, d1) -> (0, 0, 0, 0)>
#map1 = affine_map<(d0, d1) -> (0)>
#map2 = affine_map<(d0, d1) -> (0, 0)>
module attributes {stable_mosaic.version = 14 : i64} {
  func.func @_deg_body(%arg0: i32, %arg1: i32, %arg2: memref<32x5x25x80xi32, #tpu.memory_space<hbm>>, %arg3: memref<80xf32, #tpu.memory_space<hbm>>, %arg4: memref<640xf32, #tpu.memory_space<hbm>>, %arg5: memref<2x10240xf32, #tpu.memory_space<hbm>>, %arg6: memref<5x25x80xi32, #tpu.memory_space<vmem>>, %arg7: memref<80xf32, #tpu.memory_space<vmem>>, %arg8: memref<10240xf32, #tpu.memory_space<vmem_shared>>, %arg9: memref<!tpu.dma_semaphore, #tpu.memory_space<semaphore_mem>>) attributes {dimension_semantics = [#tpu.dimension_semantics<core_parallel>, #tpu.dimension_semantics<subcore_parallel>], iteration_bounds = array<i64: 2, 16>, scalar_prefetch = 0 : i64, scratch_operands = 4 : i64, tpu.core_type = #tpu.core_type<sc_vector_subcore>, window_params = [{transform_indices = #map}, {transform_indices = #map1}, {transform_indices = #map1}, {transform_indices = #map2}]} {
    %mul3A = arith.constant 16 : i32
    %mul3A_0 = arith.muli %arg0, %mul3A : i32
    %add3A = arith.addi %mul3A_0, %arg1 : i32
    "tpu.region"() ({
      %run_scoped3A = tpu.sem_alloc : memref<!tpu.dma_semaphore, #tpu.memory_space<semaphore_mem>>
      tpu.enqueue_dma source(%arg3 : memref<80xf32, #tpu.memory_space<hbm>>) target(%arg7 : memref<80xf32, #tpu.memory_space<vmem>>) target_semaphore(%run_scoped3A : memref<!tpu.dma_semaphore, #tpu.memory_space<semaphore_mem>>)
      tpu.wait_dma2 semaphore(%run_scoped3A : memref<!tpu.dma_semaphore, #tpu.memory_space<semaphore_mem>>) src(%arg3 : memref<80xf32, #tpu.memory_space<hbm>>) dst(%arg7 : memref<80xf32, #tpu.memory_space<vmem>>)
      tpu.yield
    }) : () -> ()
    "tpu.region"() ({
      %run_scoped3A = tpu.sem_alloc : memref<!tpu.dma_semaphore, #tpu.memory_space<semaphore_mem>>
      %dma_start3A = arith.constant 0 : i32
      %dma_start3A_13 = arith.constant 0 : i32
      %dma_start3A_14 = arith.constant 0 : i32
      %dma_start3A_15 = tpu.memref_slice %arg2[%add3A, %dma_start3A, %dma_start3A_13, %dma_start3A_14] : memref<32x5x25x80xi32, #tpu.memory_space<hbm>> -> memref<1x5x25x80xi32, #tpu.memory_space<hbm>>
      %dma_start3A_16 = tpu.memref_squeeze %dma_start3A_15 : memref<1x5x25x80xi32, #tpu.memory_space<hbm>> -> memref<5x25x80xi32, #tpu.memory_space<hbm>>
      %dma_start3A_17 = arith.constant 0 : i32
      %dma_start3A_18 = arith.constant 0 : i32
      %dma_start3A_19 = arith.constant 0 : i32
      %dma_start3A_20 = tpu.memref_slice %arg2[%add3A, %dma_start3A_17, %dma_start3A_18, %dma_start3A_19] : memref<32x5x25x80xi32, #tpu.memory_space<hbm>> -> memref<1x5x25x80xi32, #tpu.memory_space<hbm>>
      %dma_start3A_21 = tpu.memref_squeeze %dma_start3A_20 : memref<1x5x25x80xi32, #tpu.memory_space<hbm>> -> memref<5x25x80xi32, #tpu.memory_space<hbm>>
      tpu.enqueue_dma source(%dma_start3A_21 : memref<5x25x80xi32, #tpu.memory_space<hbm>>) target(%arg6 : memref<5x25x80xi32, #tpu.memory_space<vmem>>) target_semaphore(%run_scoped3A : memref<!tpu.dma_semaphore, #tpu.memory_space<semaphore_mem>>)
      %dma_wait3A = arith.constant 0 : i32
      %dma_wait3A_22 = arith.constant 0 : i32
      %dma_wait3A_23 = arith.constant 0 : i32
      %dma_wait3A_24 = tpu.memref_slice %arg2[%add3A, %dma_wait3A, %dma_wait3A_22, %dma_wait3A_23] : memref<32x5x25x80xi32, #tpu.memory_space<hbm>> -> memref<1x5x25x80xi32, #tpu.memory_space<hbm>>
      %dma_wait3A_25 = tpu.memref_squeeze %dma_wait3A_24 : memref<1x5x25x80xi32, #tpu.memory_space<hbm>> -> memref<5x25x80xi32, #tpu.memory_space<hbm>>
      %dma_wait3A_26 = arith.constant 0 : i32
      %dma_wait3A_27 = arith.constant 0 : i32
      %dma_wait3A_28 = arith.constant 0 : i32
      %dma_wait3A_29 = tpu.memref_slice %arg2[%add3A, %dma_wait3A_26, %dma_wait3A_27, %dma_wait3A_28] : memref<32x5x25x80xi32, #tpu.memory_space<hbm>> -> memref<1x5x25x80xi32, #tpu.memory_space<hbm>>
      %dma_wait3A_30 = tpu.memref_squeeze %dma_wait3A_29 : memref<1x5x25x80xi32, #tpu.memory_space<hbm>> -> memref<5x25x80xi32, #tpu.memory_space<hbm>>
      tpu.wait_dma2 semaphore(%run_scoped3A : memref<!tpu.dma_semaphore, #tpu.memory_space<semaphore_mem>>) src(%dma_wait3A_30 : memref<5x25x80xi32, #tpu.memory_space<hbm>>) dst(%arg6 : memref<5x25x80xi32, #tpu.memory_space<vmem>>)
      tpu.yield
    }) : () -> ()
    %mul3A_1 = arith.constant 640 : i32
    %mul3A_2 = arith.muli %arg1, %mul3A_1 : i32
    "tpu.region"() ({
      %run_scoped3A = tpu.sem_alloc : memref<!tpu.dma_semaphore, #tpu.memory_space<semaphore_mem>>
      %dma_start3A = tpu.memref_slice %arg8[%mul3A_2] : memref<10240xf32, #tpu.memory_space<vmem_shared>> -> memref<640xf32, #tpu.memory_space<vmem_shared>>
      tpu.enqueue_dma source(%arg4 : memref<640xf32, #tpu.memory_space<hbm>>) target(%dma_start3A : memref<640xf32, #tpu.memory_space<vmem_shared>>) target_semaphore(%run_scoped3A : memref<!tpu.dma_semaphore, #tpu.memory_space<semaphore_mem>>)
      %dma_wait3A = tpu.memref_slice %arg8[%mul3A_2] : memref<10240xf32, #tpu.memory_space<vmem_shared>> -> memref<640xf32, #tpu.memory_space<vmem_shared>>
      tpu.wait_dma2 semaphore(%run_scoped3A : memref<!tpu.dma_semaphore, #tpu.memory_space<semaphore_mem>>) src(%arg4 : memref<640xf32, #tpu.memory_space<hbm>>) dst(%dma_wait3A : memref<640xf32, #tpu.memory_space<vmem_shared>>)
      tpu.yield
    }) : () -> ()
    %barrier3A = arith.constant 0 : index
    tpu.barrier barrier_id(%barrier3A)
    %scan3A = arith.constant 0 : i32
    %scan3A_3 = arith.constant 0 : i32
    %scan3A_4 = arith.constant 5 : i32
    %scan3A_5 = arith.addi %scan3A_3, %scan3A_4 : i32
    %scan3A_6 = arith.constant 1 : i32
    scf.for %scan3A_13 = %scan3A_3 to %scan3A_5 step %scan3A_6  : i32 {
      %scan3A_14 = arith.constant 0 : i32
      %scan3A_15 = arith.constant 25 : i32
      %scan3A_16 = arith.addi %scan3A_14, %scan3A_15 : i32
      %scan3A_17 = arith.constant 1 : i32
      scf.for %scan3A_19 = %scan3A_14 to %scan3A_16 step %scan3A_17  : i32 {
        "tpu.region"() ({
          %run_scoped3A = tpu.sem_alloc : memref<!tpu.dma_semaphore, #tpu.memory_space<semaphore_mem>>
          %dma_start3A = arith.constant 0 : i32
          %dma_start3A_20 = tpu.memref_slice %arg6[%scan3A_13, %scan3A_19, %dma_start3A] : memref<5x25x80xi32, #tpu.memory_space<vmem>> -> memref<1x1x80xi32, #tpu.memory_space<vmem>>
          %dma_start3A_21 = tpu.memref_squeeze %dma_start3A_20 : memref<1x1x80xi32, #tpu.memory_space<vmem>> -> memref<80xi32, #tpu.memory_space<vmem>>
          %dma_start3A_22 = arith.constant 0 : i32
          %dma_start3A_23 = tpu.memref_slice %arg8[%dma_start3A_22] : memref<10240xf32, #tpu.memory_space<vmem_shared>> -> memref<10240xf32, #tpu.memory_space<vmem_shared>>
          tpu.enqueue_indirect_dma source(%arg7 : memref<80xf32, #tpu.memory_space<vmem>>) target(%dma_start3A_23 : memref<10240xf32, #tpu.memory_space<vmem_shared>>) offsets(%dma_start3A_21 : memref<80xi32, #tpu.memory_space<vmem>>) semaphore(%run_scoped3A : memref<!tpu.dma_semaphore, #tpu.memory_space<semaphore_mem>>) {add = true}
          %dma_wait3A = arith.constant 0 : i32
          %dma_wait3A_24 = tpu.memref_slice %arg6[%scan3A_13, %scan3A_19, %dma_wait3A] : memref<5x25x80xi32, #tpu.memory_space<vmem>> -> memref<1x1x80xi32, #tpu.memory_space<vmem>>
          %dma_wait3A_25 = tpu.memref_squeeze %dma_wait3A_24 : memref<1x1x80xi32, #tpu.memory_space<vmem>> -> memref<80xi32, #tpu.memory_space<vmem>>
          %dma_wait3A_26 = arith.constant 0 : i32
          %dma_wait3A_27 = tpu.memref_slice %arg8[%dma_wait3A_26] : memref<10240xf32, #tpu.memory_space<vmem_shared>> -> memref<10240xf32, #tpu.memory_space<vmem_shared>>
          tpu.wait_indirect_dma semaphore(%run_scoped3A : memref<!tpu.dma_semaphore, #tpu.memory_space<semaphore_mem>>) src(%arg7 : memref<80xf32, #tpu.memory_space<vmem>>) dst(%dma_wait3A_27 : memref<10240xf32, #tpu.memory_space<vmem_shared>>)
          tpu.yield
        }) : () -> ()
      }
      %scan3A_18 = arith.constant 25 : i32
    }
    %scan3A_7 = arith.constant 5 : i32
    %barrier3A_8 = arith.constant 0 : index
    tpu.barrier barrier_id(%barrier3A_8)
    %mul3A_9 = arith.constant 640 : i32
    %mul3A_10 = arith.muli %arg1, %mul3A_9 : i32
    %mul3A_11 = arith.constant 640 : i32
    %mul3A_12 = arith.muli %arg1, %mul3A_11 : i32
    "tpu.region"() ({
      %run_scoped3A = tpu.sem_alloc : memref<!tpu.dma_semaphore, #tpu.memory_space<semaphore_mem>>
      %dma_start3A = tpu.memref_slice %arg5[%arg0, %mul3A_12] : memref<2x10240xf32, #tpu.memory_space<hbm>> -> memref<1x640xf32, #tpu.memory_space<hbm>>
      %dma_start3A_13 = tpu.memref_squeeze %dma_start3A : memref<1x640xf32, #tpu.memory_space<hbm>> -> memref<640xf32, #tpu.memory_space<hbm>>
      %dma_start3A_14 = tpu.memref_slice %arg8[%mul3A_10] : memref<10240xf32, #tpu.memory_space<vmem_shared>> -> memref<640xf32, #tpu.memory_space<vmem_shared>>
      tpu.enqueue_dma source(%dma_start3A_14 : memref<640xf32, #tpu.memory_space<vmem_shared>>) target(%dma_start3A_13 : memref<640xf32, #tpu.memory_space<hbm>>) target_semaphore(%run_scoped3A : memref<!tpu.dma_semaphore, #tpu.memory_space<semaphore_mem>>)
      %dma_wait3A = tpu.memref_slice %arg5[%arg0, %mul3A_12] : memref<2x10240xf32, #tpu.memory_space<hbm>> -> memref<1x640xf32, #tpu.memory_space<hbm>>
      %dma_wait3A_15 = tpu.memref_squeeze %dma_wait3A : memref<1x640xf32, #tpu.memory_space<hbm>> -> memref<640xf32, #tpu.memory_space<hbm>>
      %dma_wait3A_16 = tpu.memref_slice %arg8[%mul3A_10] : memref<10240xf32, #tpu.memory_space<vmem_shared>> -> memref<640xf32, #tpu.memory_space<vmem_shared>>
      tpu.wait_dma2 semaphore(%run_scoped3A : memref<!tpu.dma_semaphore, #tpu.memory_space<semaphore_mem>>) src(%dma_wait3A_16 : memref<640xf32, #tpu.memory_space<vmem_shared>>) dst(%dma_wait3A_15 : memref<640xf32, #tpu.memory_space<hbm>>)
      tpu.yield
    }) : () -> ()
    return
  }
}

#map = affine_map<(d0, d1) -> (0, 0)>
#map1 = affine_map<(d0, d1) -> (0, 0, 0, 0)>
#map2 = affine_map<(d0, d1) -> (0, 0, 0)>
module attributes {stable_mosaic.version = 14 : i64} {
  func.func @_agg_body(%arg0: i32, %arg1: i32, %arg2: memref<10000x128xf32, #tpu.memory_space<hbm>>, %arg3: memref<32x5x25x80xi32, #tpu.memory_space<hbm>>, %arg4: memref<32x5x25x80xi32, #tpu.memory_space<hbm>>, %arg5: memref<640x128xf32, #tpu.memory_space<hbm>>, %arg6: memref<2x10240x128xf32, #tpu.memory_space<hbm>>, %arg7: memref<25x80xi32, #tpu.memory_space<vmem>>, %arg8: memref<25x80xi32, #tpu.memory_space<vmem>>, %arg9: memref<80x128xf32, #tpu.memory_space<vmem>>, %arg10: memref<80x128xf32, #tpu.memory_space<vmem>>, %arg11: memref<10240x128xf32, #tpu.memory_space<vmem_shared>>, %arg12: memref<!tpu.dma_semaphore, #tpu.memory_space<semaphore_mem>>, %arg13: memref<!tpu.dma_semaphore, #tpu.memory_space<semaphore_mem>>) attributes {dimension_semantics = [#tpu.dimension_semantics<core_parallel>, #tpu.dimension_semantics<subcore_parallel>], iteration_bounds = array<i64: 2, 16>, scalar_prefetch = 0 : i64, scratch_operands = 7 : i64, tpu.core_type = #tpu.core_type<sc_vector_subcore>, window_params = [{transform_indices = #map}, {transform_indices = #map1}, {transform_indices = #map1}, {transform_indices = #map}, {transform_indices = #map2}]} {
    %mul3A = arith.constant 16 : i32
    %mul3A_0 = arith.muli %arg0, %mul3A : i32
    %add3A = arith.addi %mul3A_0, %arg1 : i32
    %mul3A_1 = arith.constant 640 : i32
    %mul3A_2 = arith.muli %arg1, %mul3A_1 : i32
    "tpu.region"() ({
      %run_scoped3A = tpu.sem_alloc : memref<!tpu.dma_semaphore, #tpu.memory_space<semaphore_mem>>
      %dma_start3A = arith.constant 0 : i32
      %dma_start3A_13 = tpu.memref_slice %arg11[%mul3A_2, %dma_start3A] : memref<10240x128xf32, #tpu.memory_space<vmem_shared>> -> memref<640x128xf32, #tpu.memory_space<vmem_shared>>
      tpu.enqueue_dma source(%arg5 : memref<640x128xf32, #tpu.memory_space<hbm>>) target(%dma_start3A_13 : memref<640x128xf32, #tpu.memory_space<vmem_shared>>) target_semaphore(%run_scoped3A : memref<!tpu.dma_semaphore, #tpu.memory_space<semaphore_mem>>)
      %dma_wait3A = arith.constant 0 : i32
      %dma_wait3A_14 = tpu.memref_slice %arg11[%mul3A_2, %dma_wait3A] : memref<10240x128xf32, #tpu.memory_space<vmem_shared>> -> memref<640x128xf32, #tpu.memory_space<vmem_shared>>
      tpu.wait_dma2 semaphore(%run_scoped3A : memref<!tpu.dma_semaphore, #tpu.memory_space<semaphore_mem>>) src(%arg5 : memref<640x128xf32, #tpu.memory_space<hbm>>) dst(%dma_wait3A_14 : memref<640x128xf32, #tpu.memory_space<vmem_shared>>)
      tpu.yield
    }) : () -> ()
    %barrier3A = arith.constant 0 : index
    tpu.barrier barrier_id(%barrier3A)
    %scan3A = arith.constant 0 : i32
    %scan3A_3 = arith.constant 0 : i32
    %scan3A_4 = arith.constant 5 : i32
    %scan3A_5 = arith.addi %scan3A_3, %scan3A_4 : i32
    %scan3A_6 = arith.constant 1 : i32
    scf.for %scan3A_13 = %scan3A_3 to %scan3A_5 step %scan3A_6  : i32 {
      "tpu.region"() ({
        %run_scoped3A_38 = tpu.sem_alloc : memref<!tpu.dma_semaphore, #tpu.memory_space<semaphore_mem>>
        %dma_start3A_39 = arith.constant 0 : i32
        %dma_start3A_40 = arith.constant 0 : i32
        %dma_start3A_41 = tpu.memref_slice %arg3[%add3A, %scan3A_13, %dma_start3A_39, %dma_start3A_40] : memref<32x5x25x80xi32, #tpu.memory_space<hbm>> -> memref<1x1x25x80xi32, #tpu.memory_space<hbm>>
        %dma_start3A_42 = tpu.memref_squeeze %dma_start3A_41 : memref<1x1x25x80xi32, #tpu.memory_space<hbm>> -> memref<25x80xi32, #tpu.memory_space<hbm>>
        %dma_start3A_43 = arith.constant 0 : i32
        %dma_start3A_44 = arith.constant 0 : i32
        %dma_start3A_45 = tpu.memref_slice %arg3[%add3A, %scan3A_13, %dma_start3A_43, %dma_start3A_44] : memref<32x5x25x80xi32, #tpu.memory_space<hbm>> -> memref<1x1x25x80xi32, #tpu.memory_space<hbm>>
        %dma_start3A_46 = tpu.memref_squeeze %dma_start3A_45 : memref<1x1x25x80xi32, #tpu.memory_space<hbm>> -> memref<25x80xi32, #tpu.memory_space<hbm>>
        tpu.enqueue_dma source(%dma_start3A_46 : memref<25x80xi32, #tpu.memory_space<hbm>>) target(%arg7 : memref<25x80xi32, #tpu.memory_space<vmem>>) target_semaphore(%run_scoped3A_38 : memref<!tpu.dma_semaphore, #tpu.memory_space<semaphore_mem>>)
        %dma_wait3A_47 = arith.constant 0 : i32
        %dma_wait3A_48 = arith.constant 0 : i32
        %dma_wait3A_49 = tpu.memref_slice %arg3[%add3A, %scan3A_13, %dma_wait3A_47, %dma_wait3A_48] : memref<32x5x25x80xi32, #tpu.memory_space<hbm>> -> memref<1x1x25x80xi32, #tpu.memory_space<hbm>>
        %dma_wait3A_50 = tpu.memref_squeeze %dma_wait3A_49 : memref<1x1x25x80xi32, #tpu.memory_space<hbm>> -> memref<25x80xi32, #tpu.memory_space<hbm>>
        %dma_wait3A_51 = arith.constant 0 : i32
        %dma_wait3A_52 = arith.constant 0 : i32
        %dma_wait3A_53 = tpu.memref_slice %arg3[%add3A, %scan3A_13, %dma_wait3A_51, %dma_wait3A_52] : memref<32x5x25x80xi32, #tpu.memory_space<hbm>> -> memref<1x1x25x80xi32, #tpu.memory_space<hbm>>
        %dma_wait3A_54 = tpu.memref_squeeze %dma_wait3A_53 : memref<1x1x25x80xi32, #tpu.memory_space<hbm>> -> memref<25x80xi32, #tpu.memory_space<hbm>>
        tpu.wait_dma2 semaphore(%run_scoped3A_38 : memref<!tpu.dma_semaphore, #tpu.memory_space<semaphore_mem>>) src(%dma_wait3A_54 : memref<25x80xi32, #tpu.memory_space<hbm>>) dst(%arg7 : memref<25x80xi32, #tpu.memory_space<vmem>>)
        tpu.yield
      }) : () -> ()
      "tpu.region"() ({
        %run_scoped3A_38 = tpu.sem_alloc : memref<!tpu.dma_semaphore, #tpu.memory_space<semaphore_mem>>
        %dma_start3A_39 = arith.constant 0 : i32
        %dma_start3A_40 = arith.constant 0 : i32
        %dma_start3A_41 = tpu.memref_slice %arg4[%add3A, %scan3A_13, %dma_start3A_39, %dma_start3A_40] : memref<32x5x25x80xi32, #tpu.memory_space<hbm>> -> memref<1x1x25x80xi32, #tpu.memory_space<hbm>>
        %dma_start3A_42 = tpu.memref_squeeze %dma_start3A_41 : memref<1x1x25x80xi32, #tpu.memory_space<hbm>> -> memref<25x80xi32, #tpu.memory_space<hbm>>
        %dma_start3A_43 = arith.constant 0 : i32
        %dma_start3A_44 = arith.constant 0 : i32
        %dma_start3A_45 = tpu.memref_slice %arg4[%add3A, %scan3A_13, %dma_start3A_43, %dma_start3A_44] : memref<32x5x25x80xi32, #tpu.memory_space<hbm>> -> memref<1x1x25x80xi32, #tpu.memory_space<hbm>>
        %dma_start3A_46 = tpu.memref_squeeze %dma_start3A_45 : memref<1x1x25x80xi32, #tpu.memory_space<hbm>> -> memref<25x80xi32, #tpu.memory_space<hbm>>
        tpu.enqueue_dma source(%dma_start3A_46 : memref<25x80xi32, #tpu.memory_space<hbm>>) target(%arg8 : memref<25x80xi32, #tpu.memory_space<vmem>>) target_semaphore(%run_scoped3A_38 : memref<!tpu.dma_semaphore, #tpu.memory_space<semaphore_mem>>)
        %dma_wait3A_47 = arith.constant 0 : i32
        %dma_wait3A_48 = arith.constant 0 : i32
        %dma_wait3A_49 = tpu.memref_slice %arg4[%add3A, %scan3A_13, %dma_wait3A_47, %dma_wait3A_48] : memref<32x5x25x80xi32, #tpu.memory_space<hbm>> -> memref<1x1x25x80xi32, #tpu.memory_space<hbm>>
        %dma_wait3A_50 = tpu.memref_squeeze %dma_wait3A_49 : memref<1x1x25x80xi32, #tpu.memory_space<hbm>> -> memref<25x80xi32, #tpu.memory_space<hbm>>
        %dma_wait3A_51 = arith.constant 0 : i32
        %dma_wait3A_52 = arith.constant 0 : i32
        %dma_wait3A_53 = tpu.memref_slice %arg4[%add3A, %scan3A_13, %dma_wait3A_51, %dma_wait3A_52] : memref<32x5x25x80xi32, #tpu.memory_space<hbm>> -> memref<1x1x25x80xi32, #tpu.memory_space<hbm>>
        %dma_wait3A_54 = tpu.memref_squeeze %dma_wait3A_53 : memref<1x1x25x80xi32, #tpu.memory_space<hbm>> -> memref<25x80xi32, #tpu.memory_space<hbm>>
        tpu.wait_dma2 semaphore(%run_scoped3A_38 : memref<!tpu.dma_semaphore, #tpu.memory_space<semaphore_mem>>) src(%dma_wait3A_54 : memref<25x80xi32, #tpu.memory_space<hbm>>) dst(%arg8 : memref<25x80xi32, #tpu.memory_space<vmem>>)
        tpu.yield
      }) : () -> ()
      %dma_start3A = arith.constant 0 : i32
      %dma_start3A_14 = arith.constant 0 : i32
      %dma_start3A_15 = tpu.memref_slice %arg7[%dma_start3A, %dma_start3A_14] : memref<25x80xi32, #tpu.memory_space<vmem>> -> memref<1x80xi32, #tpu.memory_space<vmem>>
      %dma_start3A_16 = tpu.memref_squeeze %dma_start3A_15 : memref<1x80xi32, #tpu.memory_space<vmem>> -> memref<80xi32, #tpu.memory_space<vmem>>
      %dma_start3A_17 = arith.constant 0 : i32
      %dma_start3A_18 = arith.constant 0 : i32
      %dma_start3A_19 = tpu.memref_slice %arg2[%dma_start3A_17, %dma_start3A_18] : memref<10000x128xf32, #tpu.memory_space<hbm>> -> memref<10000x128xf32, #tpu.memory_space<hbm>>
      tpu.enqueue_indirect_dma source(%dma_start3A_19 : memref<10000x128xf32, #tpu.memory_space<hbm>>) target(%arg9 : memref<80x128xf32, #tpu.memory_space<vmem>>) offsets(%dma_start3A_16 : memref<80xi32, #tpu.memory_space<vmem>>) semaphore(%arg12 : memref<!tpu.dma_semaphore, #tpu.memory_space<semaphore_mem>>)
      %dma_start3A_20 = arith.constant 1 : i32
      %dma_start3A_21 = arith.constant 0 : i32
      %dma_start3A_22 = tpu.memref_slice %arg7[%dma_start3A_20, %dma_start3A_21] : memref<25x80xi32, #tpu.memory_space<vmem>> -> memref<1x80xi32, #tpu.memory_space<vmem>>
      %dma_start3A_23 = tpu.memref_squeeze %dma_start3A_22 : memref<1x80xi32, #tpu.memory_space<vmem>> -> memref<80xi32, #tpu.memory_space<vmem>>
      %dma_start3A_24 = arith.constant 0 : i32
      %dma_start3A_25 = arith.constant 0 : i32
      %dma_start3A_26 = tpu.memref_slice %arg2[%dma_start3A_24, %dma_start3A_25] : memref<10000x128xf32, #tpu.memory_space<hbm>> -> memref<10000x128xf32, #tpu.memory_space<hbm>>
      tpu.enqueue_indirect_dma source(%dma_start3A_26 : memref<10000x128xf32, #tpu.memory_space<hbm>>) target(%arg10 : memref<80x128xf32, #tpu.memory_space<vmem>>) offsets(%dma_start3A_23 : memref<80xi32, #tpu.memory_space<vmem>>) semaphore(%arg13 : memref<!tpu.dma_semaphore, #tpu.memory_space<semaphore_mem>>)
      %scan3A_27 = arith.constant 0 : i32
      %scan3A_28 = arith.constant 12 : i32
      %scan3A_29 = arith.addi %scan3A_27, %scan3A_28 : i32
      %scan3A_30 = arith.constant 1 : i32
      scf.for %scan3A_38 = %scan3A_27 to %scan3A_29 step %scan3A_30  : i32 {
        %mul3A_39 = arith.constant 2 : i32
        %mul3A_40 = arith.muli %mul3A_39, %scan3A_38 : i32
        %mul3A_41 = arith.constant 2 : i32
        %mul3A_42 = arith.muli %mul3A_41, %scan3A_38 : i32
        %add3A_43 = arith.constant 1 : i32
        %add3A_44 = arith.addi %mul3A_42, %add3A_43 : i32
        %dma_wait3A_45 = arith.constant 0 : i32
        %dma_wait3A_46 = tpu.memref_slice %arg7[%mul3A_40, %dma_wait3A_45] : memref<25x80xi32, #tpu.memory_space<vmem>> -> memref<1x80xi32, #tpu.memory_space<vmem>>
        %dma_wait3A_47 = tpu.memref_squeeze %dma_wait3A_46 : memref<1x80xi32, #tpu.memory_space<vmem>> -> memref<80xi32, #tpu.memory_space<vmem>>
        %dma_wait3A_48 = arith.constant 0 : i32
        %dma_wait3A_49 = arith.constant 0 : i32
        %dma_wait3A_50 = tpu.memref_slice %arg2[%dma_wait3A_48, %dma_wait3A_49] : memref<10000x128xf32, #tpu.memory_space<hbm>> -> memref<10000x128xf32, #tpu.memory_space<hbm>>
        tpu.wait_indirect_dma semaphore(%arg12 : memref<!tpu.dma_semaphore, #tpu.memory_space<semaphore_mem>>) src(%dma_wait3A_50 : memref<10000x128xf32, #tpu.memory_space<hbm>>) dst(%arg9 : memref<80x128xf32, #tpu.memory_space<vmem>>)
        "tpu.region"() ({
          %run_scoped3A_68 = tpu.sem_alloc : memref<!tpu.dma_semaphore, #tpu.memory_space<semaphore_mem>>
          %dma_start3A_69 = arith.constant 0 : i32
          %dma_start3A_70 = tpu.memref_slice %arg8[%mul3A_40, %dma_start3A_69] : memref<25x80xi32, #tpu.memory_space<vmem>> -> memref<1x80xi32, #tpu.memory_space<vmem>>
          %dma_start3A_71 = tpu.memref_squeeze %dma_start3A_70 : memref<1x80xi32, #tpu.memory_space<vmem>> -> memref<80xi32, #tpu.memory_space<vmem>>
          %dma_start3A_72 = arith.constant 0 : i32
          %dma_start3A_73 = arith.constant 0 : i32
          %dma_start3A_74 = tpu.memref_slice %arg11[%dma_start3A_72, %dma_start3A_73] : memref<10240x128xf32, #tpu.memory_space<vmem_shared>> -> memref<10240x128xf32, #tpu.memory_space<vmem_shared>>
          tpu.enqueue_indirect_dma source(%arg9 : memref<80x128xf32, #tpu.memory_space<vmem>>) target(%dma_start3A_74 : memref<10240x128xf32, #tpu.memory_space<vmem_shared>>) offsets(%dma_start3A_71 : memref<80xi32, #tpu.memory_space<vmem>>) semaphore(%run_scoped3A_68 : memref<!tpu.dma_semaphore, #tpu.memory_space<semaphore_mem>>) {add = true}
          %dma_wait3A_75 = arith.constant 0 : i32
          %dma_wait3A_76 = tpu.memref_slice %arg8[%mul3A_40, %dma_wait3A_75] : memref<25x80xi32, #tpu.memory_space<vmem>> -> memref<1x80xi32, #tpu.memory_space<vmem>>
          %dma_wait3A_77 = tpu.memref_squeeze %dma_wait3A_76 : memref<1x80xi32, #tpu.memory_space<vmem>> -> memref<80xi32, #tpu.memory_space<vmem>>
          %dma_wait3A_78 = arith.constant 0 : i32
          %dma_wait3A_79 = arith.constant 0 : i32
          %dma_wait3A_80 = tpu.memref_slice %arg11[%dma_wait3A_78, %dma_wait3A_79] : memref<10240x128xf32, #tpu.memory_space<vmem_shared>> -> memref<10240x128xf32, #tpu.memory_space<vmem_shared>>
          tpu.wait_indirect_dma semaphore(%run_scoped3A_68 : memref<!tpu.dma_semaphore, #tpu.memory_space<semaphore_mem>>) src(%arg9 : memref<80x128xf32, #tpu.memory_space<vmem>>) dst(%dma_wait3A_80 : memref<10240x128xf32, #tpu.memory_space<vmem_shared>>)
          tpu.yield
        }) : () -> ()
        %add3A_51 = arith.constant 2 : i32
        %add3A_52 = arith.addi %mul3A_40, %add3A_51 : i32
        %lt3A = arith.constant 25 : i32
        %lt3A_53 = arith.cmpi slt, %add3A_52, %lt3A : i32
        %convert_element_type3A = arith.extui %lt3A_53 : i1 to i32
        %cond3A = arith.constant 0 : i32
        %cond3A_54 = arith.cmpi ne, %convert_element_type3A, %cond3A : i32
        scf.if %cond3A_54 {
          %add3A_68 = arith.constant 2 : i32
          %add3A_69 = arith.addi %mul3A_40, %add3A_68 : i32
          %dma_start3A_70 = arith.constant 0 : i32
          %dma_start3A_71 = tpu.memref_slice %arg7[%add3A_69, %dma_start3A_70] : memref<25x80xi32, #tpu.memory_space<vmem>> -> memref<1x80xi32, #tpu.memory_space<vmem>>
          %dma_start3A_72 = tpu.memref_squeeze %dma_start3A_71 : memref<1x80xi32, #tpu.memory_space<vmem>> -> memref<80xi32, #tpu.memory_space<vmem>>
          %dma_start3A_73 = arith.constant 0 : i32
          %dma_start3A_74 = arith.constant 0 : i32
          %dma_start3A_75 = tpu.memref_slice %arg2[%dma_start3A_73, %dma_start3A_74] : memref<10000x128xf32, #tpu.memory_space<hbm>> -> memref<10000x128xf32, #tpu.memory_space<hbm>>
          tpu.enqueue_indirect_dma source(%dma_start3A_75 : memref<10000x128xf32, #tpu.memory_space<hbm>>) target(%arg9 : memref<80x128xf32, #tpu.memory_space<vmem>>) offsets(%dma_start3A_72 : memref<80xi32, #tpu.memory_space<vmem>>) semaphore(%arg12 : memref<!tpu.dma_semaphore, #tpu.memory_space<semaphore_mem>>)
        } else {
        }
        %dma_wait3A_55 = arith.constant 0 : i32
        %dma_wait3A_56 = tpu.memref_slice %arg7[%add3A_44, %dma_wait3A_55] : memref<25x80xi32, #tpu.memory_space<vmem>> -> memref<1x80xi32, #tpu.memory_space<vmem>>
        %dma_wait3A_57 = tpu.memref_squeeze %dma_wait3A_56 : memref<1x80xi32, #tpu.memory_space<vmem>> -> memref<80xi32, #tpu.memory_space<vmem>>
        %dma_wait3A_58 = arith.constant 0 : i32
        %dma_wait3A_59 = arith.constant 0 : i32
        %dma_wait3A_60 = tpu.memref_slice %arg2[%dma_wait3A_58, %dma_wait3A_59] : memref<10000x128xf32, #tpu.memory_space<hbm>> -> memref<10000x128xf32, #tpu.memory_space<hbm>>
        tpu.wait_indirect_dma semaphore(%arg13 : memref<!tpu.dma_semaphore, #tpu.memory_space<semaphore_mem>>) src(%dma_wait3A_60 : memref<10000x128xf32, #tpu.memory_space<hbm>>) dst(%arg10 : memref<80x128xf32, #tpu.memory_space<vmem>>)
        "tpu.region"() ({
          %run_scoped3A_68 = tpu.sem_alloc : memref<!tpu.dma_semaphore, #tpu.memory_space<semaphore_mem>>
          %dma_start3A_69 = arith.constant 0 : i32
          %dma_start3A_70 = tpu.memref_slice %arg8[%add3A_44, %dma_start3A_69] : memref<25x80xi32, #tpu.memory_space<vmem>> -> memref<1x80xi32, #tpu.memory_space<vmem>>
          %dma_start3A_71 = tpu.memref_squeeze %dma_start3A_70 : memref<1x80xi32, #tpu.memory_space<vmem>> -> memref<80xi32, #tpu.memory_space<vmem>>
          %dma_start3A_72 = arith.constant 0 : i32
          %dma_start3A_73 = arith.constant 0 : i32
          %dma_start3A_74 = tpu.memref_slice %arg11[%dma_start3A_72, %dma_start3A_73] : memref<10240x128xf32, #tpu.memory_space<vmem_shared>> -> memref<10240x128xf32, #tpu.memory_space<vmem_shared>>
          tpu.enqueue_indirect_dma source(%arg10 : memref<80x128xf32, #tpu.memory_space<vmem>>) target(%dma_start3A_74 : memref<10240x128xf32, #tpu.memory_space<vmem_shared>>) offsets(%dma_start3A_71 : memref<80xi32, #tpu.memory_space<vmem>>) semaphore(%run_scoped3A_68 : memref<!tpu.dma_semaphore, #tpu.memory_space<semaphore_mem>>) {add = true}
          %dma_wait3A_75 = arith.constant 0 : i32
          %dma_wait3A_76 = tpu.memref_slice %arg8[%add3A_44, %dma_wait3A_75] : memref<25x80xi32, #tpu.memory_space<vmem>> -> memref<1x80xi32, #tpu.memory_space<vmem>>
          %dma_wait3A_77 = tpu.memref_squeeze %dma_wait3A_76 : memref<1x80xi32, #tpu.memory_space<vmem>> -> memref<80xi32, #tpu.memory_space<vmem>>
          %dma_wait3A_78 = arith.constant 0 : i32
          %dma_wait3A_79 = arith.constant 0 : i32
          %dma_wait3A_80 = tpu.memref_slice %arg11[%dma_wait3A_78, %dma_wait3A_79] : memref<10240x128xf32, #tpu.memory_space<vmem_shared>> -> memref<10240x128xf32, #tpu.memory_space<vmem_shared>>
          tpu.wait_indirect_dma semaphore(%run_scoped3A_68 : memref<!tpu.dma_semaphore, #tpu.memory_space<semaphore_mem>>) src(%arg10 : memref<80x128xf32, #tpu.memory_space<vmem>>) dst(%dma_wait3A_80 : memref<10240x128xf32, #tpu.memory_space<vmem_shared>>)
          tpu.yield
        }) : () -> ()
        %add3A_61 = arith.constant 2 : i32
        %add3A_62 = arith.addi %add3A_44, %add3A_61 : i32
        %lt3A_63 = arith.constant 25 : i32
        %lt3A_64 = arith.cmpi slt, %add3A_62, %lt3A_63 : i32
        %convert_element_type3A_65 = arith.extui %lt3A_64 : i1 to i32
        %cond3A_66 = arith.constant 0 : i32
        %cond3A_67 = arith.cmpi ne, %convert_element_type3A_65, %cond3A_66 : i32
        scf.if %cond3A_67 {
          %add3A_68 = arith.constant 2 : i32
          %add3A_69 = arith.addi %add3A_44, %add3A_68 : i32
          %dma_start3A_70 = arith.constant 0 : i32
          %dma_start3A_71 = tpu.memref_slice %arg7[%add3A_69, %dma_start3A_70] : memref<25x80xi32, #tpu.memory_space<vmem>> -> memref<1x80xi32, #tpu.memory_space<vmem>>
          %dma_start3A_72 = tpu.memref_squeeze %dma_start3A_71 : memref<1x80xi32, #tpu.memory_space<vmem>> -> memref<80xi32, #tpu.memory_space<vmem>>
          %dma_start3A_73 = arith.constant 0 : i32
          %dma_start3A_74 = arith.constant 0 : i32
          %dma_start3A_75 = tpu.memref_slice %arg2[%dma_start3A_73, %dma_start3A_74] : memref<10000x128xf32, #tpu.memory_space<hbm>> -> memref<10000x128xf32, #tpu.memory_space<hbm>>
          tpu.enqueue_indirect_dma source(%dma_start3A_75 : memref<10000x128xf32, #tpu.memory_space<hbm>>) target(%arg10 : memref<80x128xf32, #tpu.memory_space<vmem>>) offsets(%dma_start3A_72 : memref<80xi32, #tpu.memory_space<vmem>>) semaphore(%arg13 : memref<!tpu.dma_semaphore, #tpu.memory_space<semaphore_mem>>)
        } else {
        }
      }
      %scan3A_31 = arith.constant 12 : i32
      %dma_wait3A = arith.constant 24 : i32
      %dma_wait3A_32 = arith.constant 0 : i32
      %dma_wait3A_33 = tpu.memref_slice %arg7[%dma_wait3A, %dma_wait3A_32] : memref<25x80xi32, #tpu.memory_space<vmem>> -> memref<1x80xi32, #tpu.memory_space<vmem>>
      %dma_wait3A_34 = tpu.memref_squeeze %dma_wait3A_33 : memref<1x80xi32, #tpu.memory_space<vmem>> -> memref<80xi32, #tpu.memory_space<vmem>>
      %dma_wait3A_35 = arith.constant 0 : i32
      %dma_wait3A_36 = arith.constant 0 : i32
      %dma_wait3A_37 = tpu.memref_slice %arg2[%dma_wait3A_35, %dma_wait3A_36] : memref<10000x128xf32, #tpu.memory_space<hbm>> -> memref<10000x128xf32, #tpu.memory_space<hbm>>
      tpu.wait_indirect_dma semaphore(%arg12 : memref<!tpu.dma_semaphore, #tpu.memory_space<semaphore_mem>>) src(%dma_wait3A_37 : memref<10000x128xf32, #tpu.memory_space<hbm>>) dst(%arg9 : memref<80x128xf32, #tpu.memory_space<vmem>>)
      %run_scoped3A = arith.constant 24 : i32
      "tpu.region"() ({
        %run_scoped3A_38 = tpu.sem_alloc : memref<!tpu.dma_semaphore, #tpu.memory_space<semaphore_mem>>
        %dma_start3A_39 = arith.constant 0 : i32
        %dma_start3A_40 = tpu.memref_slice %arg8[%run_scoped3A, %dma_start3A_39] : memref<25x80xi32, #tpu.memory_space<vmem>> -> memref<1x80xi32, #tpu.memory_space<vmem>>
        %dma_start3A_41 = tpu.memref_squeeze %dma_start3A_40 : memref<1x80xi32, #tpu.memory_space<vmem>> -> memref<80xi32, #tpu.memory_space<vmem>>
        %dma_start3A_42 = arith.constant 0 : i32
        %dma_start3A_43 = arith.constant 0 : i32
        %dma_start3A_44 = tpu.memref_slice %arg11[%dma_start3A_42, %dma_start3A_43] : memref<10240x128xf32, #tpu.memory_space<vmem_shared>> -> memref<10240x128xf32, #tpu.memory_space<vmem_shared>>
        tpu.enqueue_indirect_dma source(%arg9 : memref<80x128xf32, #tpu.memory_space<vmem>>) target(%dma_start3A_44 : memref<10240x128xf32, #tpu.memory_space<vmem_shared>>) offsets(%dma_start3A_41 : memref<80xi32, #tpu.memory_space<vmem>>) semaphore(%run_scoped3A_38 : memref<!tpu.dma_semaphore, #tpu.memory_space<semaphore_mem>>) {add = true}
        %dma_wait3A_45 = arith.constant 0 : i32
        %dma_wait3A_46 = tpu.memref_slice %arg8[%run_scoped3A, %dma_wait3A_45] : memref<25x80xi32, #tpu.memory_space<vmem>> -> memref<1x80xi32, #tpu.memory_space<vmem>>
        %dma_wait3A_47 = tpu.memref_squeeze %dma_wait3A_46 : memref<1x80xi32, #tpu.memory_space<vmem>> -> memref<80xi32, #tpu.memory_space<vmem>>
        %dma_wait3A_48 = arith.constant 0 : i32
        %dma_wait3A_49 = arith.constant 0 : i32
        %dma_wait3A_50 = tpu.memref_slice %arg11[%dma_wait3A_48, %dma_wait3A_49] : memref<10240x128xf32, #tpu.memory_space<vmem_shared>> -> memref<10240x128xf32, #tpu.memory_space<vmem_shared>>
        tpu.wait_indirect_dma semaphore(%run_scoped3A_38 : memref<!tpu.dma_semaphore, #tpu.memory_space<semaphore_mem>>) src(%arg9 : memref<80x128xf32, #tpu.memory_space<vmem>>) dst(%dma_wait3A_50 : memref<10240x128xf32, #tpu.memory_space<vmem_shared>>)
        tpu.yield
      }) : () -> ()
    }
    %scan3A_7 = arith.constant 5 : i32
    %barrier3A_8 = arith.constant 0 : index
    tpu.barrier barrier_id(%barrier3A_8)
    %mul3A_9 = arith.constant 640 : i32
    %mul3A_10 = arith.muli %arg1, %mul3A_9 : i32
    %mul3A_11 = arith.constant 640 : i32
    %mul3A_12 = arith.muli %arg1, %mul3A_11 : i32
    "tpu.region"() ({
      %run_scoped3A = tpu.sem_alloc : memref<!tpu.dma_semaphore, #tpu.memory_space<semaphore_mem>>
      %dma_start3A = arith.constant 0 : i32
      %dma_start3A_13 = tpu.memref_slice %arg6[%arg0, %mul3A_12, %dma_start3A] : memref<2x10240x128xf32, #tpu.memory_space<hbm>> -> memref<1x640x128xf32, #tpu.memory_space<hbm>>
      %dma_start3A_14 = tpu.memref_squeeze %dma_start3A_13 : memref<1x640x128xf32, #tpu.memory_space<hbm>> -> memref<640x128xf32, #tpu.memory_space<hbm>>
      %dma_start3A_15 = arith.constant 0 : i32
      %dma_start3A_16 = tpu.memref_slice %arg11[%mul3A_10, %dma_start3A_15] : memref<10240x128xf32, #tpu.memory_space<vmem_shared>> -> memref<640x128xf32, #tpu.memory_space<vmem_shared>>
      tpu.enqueue_dma source(%dma_start3A_16 : memref<640x128xf32, #tpu.memory_space<vmem_shared>>) target(%dma_start3A_14 : memref<640x128xf32, #tpu.memory_space<hbm>>) target_semaphore(%run_scoped3A : memref<!tpu.dma_semaphore, #tpu.memory_space<semaphore_mem>>)
      %dma_wait3A = arith.constant 0 : i32
      %dma_wait3A_17 = tpu.memref_slice %arg6[%arg0, %mul3A_12, %dma_wait3A] : memref<2x10240x128xf32, #tpu.memory_space<hbm>> -> memref<1x640x128xf32, #tpu.memory_space<hbm>>
      %dma_wait3A_18 = tpu.memref_squeeze %dma_wait3A_17 : memref<1x640x128xf32, #tpu.memory_space<hbm>> -> memref<640x128xf32, #tpu.memory_space<hbm>>
      %dma_wait3A_19 = arith.constant 0 : i32
      %dma_wait3A_20 = tpu.memref_slice %arg11[%mul3A_10, %dma_wait3A_19] : memref<10240x128xf32, #tpu.memory_space<vmem_shared>> -> memref<640x128xf32, #tpu.memory_space<vmem_shared>>
      tpu.wait_dma2 semaphore(%run_scoped3A : memref<!tpu.dma_semaphore, #tpu.memory_space<semaphore_mem>>) src(%dma_wait3A_20 : memref<640x128xf32, #tpu.memory_space<vmem_shared>>) dst(%dma_wait3A_18 : memref<640x128xf32, #tpu.memory_space<hbm>>)
      tpu.yield
    }) : () -> ()
    return
  }
}

module attributes {stable_mosaic.version = 14 : i64} {
  func.func @_tc1_body(%arg0: i32, %arg1: memref<2x2000x1xf32, #tpu.memory_space<vmem>>, %arg2: memref<2000x128xf32, #tpu.memory_space<vmem>>, %arg3: memref<128x128xf32, #tpu.memory_space<vmem>>, %arg4: memref<2000x8xf32, #tpu.memory_space<vmem>>, %arg5: memref<2000x128xf32, #tpu.memory_space<vmem>>) attributes {dimension_semantics = [#tpu.dimension_semantics<arbitrary>], iteration_bounds = array<i64: 5>, scalar_prefetch = 0 : i64, scratch_operands = 0 : i64, tpu.core_type = #tpu.core_type<tc>, window_params = [{transform_indices = @transform_0, window_bounds = array<i64: 2, 2000, 1>}, {transform_indices = @transform_1, window_bounds = array<i64: 2000, 128>}, {pipeline_mode = #tpu.pipeline_mode<synchronous>, transform_indices = @transform_2, window_bounds = array<i64: 128, 128>}, {transform_indices = @transform_3, window_bounds = array<i64: 2000, 8>}, {transform_indices = @transform_4, window_bounds = array<i64: 2000, 128>}]} {
    %get3A = arith.constant 0 : index
    %get3A_0 = arith.constant 0 : index
    %get3A_1 = arith.constant 0 : index
    %get3A_2 = vector.load %arg1[%get3A, %get3A_0, %get3A_1] : memref<2x2000x1xf32, #tpu.memory_space<vmem>>, vector<1x2000x1xf32>
    %get3A_3 = vector.shape_cast %get3A_2 : vector<1x2000x1xf32> to vector<2000xf32>
    %get3A_4 = arith.constant 1 : index
    %get3A_5 = arith.constant 0 : index
    %get3A_6 = arith.constant 0 : index
    %get3A_7 = vector.load %arg1[%get3A_4, %get3A_5, %get3A_6] : memref<2x2000x1xf32, #tpu.memory_space<vmem>>, vector<1x2000x1xf32>
    %get3A_8 = vector.shape_cast %get3A_7 : vector<1x2000x1xf32> to vector<2000xf32>
    %add3A = arith.addf %get3A_3, %get3A_8 : vector<2000xf32>
    %add3A_9 = arith.constant 1.000000e+00 : f32
    %add3A_10 = vector.broadcast %add3A_9 : f32 to vector<2000xf32>
    %add3A_11 = arith.addf %add3A, %add3A_10 : vector<2000xf32>
    %rsqrt3A = math.rsqrt %add3A_11 : vector<2000xf32>
    %get3A_12 = arith.constant 0 : index
    %get3A_13 = arith.constant 0 : index
    %get3A_14 = vector.load %arg2[%get3A_12, %get3A_13] : memref<2000x128xf32, #tpu.memory_space<vmem>>, vector<2000x128xf32>
    %get3A_15 = arith.constant 0 : index
    %get3A_16 = arith.constant 0 : index
    %get3A_17 = vector.load %arg3[%get3A_15, %get3A_16] : memref<128x128xf32, #tpu.memory_space<vmem>>, vector<128x128xf32>
    %dot_general3A = arith.constant dense<0.000000e+00> : vector<2000x128xf32>
    %dot_general3A_18 = tpu.matmul %get3A_14, %get3A_17, %dot_general3A {dimension_numbers = #tpu.dot_dimension_numbers<[1], [0], [0], [1], [0, 0, 1, 1], [], []>, transpose_lhs_hint = false} : vector<2000x128xf32>, vector<128x128xf32>, vector<2000x128xf32> -> vector<2000x128xf32>
    %broadcast_in_dim3A = vector.shape_cast %rsqrt3A : vector<2000xf32> to vector<2000x1xf32>
    %mul3A = vector.broadcast %broadcast_in_dim3A : vector<2000x1xf32> to vector<2000x128xf32>
    %mul3A_19 = arith.mulf %dot_general3A_18, %mul3A : vector<2000x128xf32>
    %swap3A = arith.constant 0 : index
    %swap3A_20 = arith.constant 0 : index
    %swap3A_21 = vector.load %arg5[%swap3A, %swap3A_20] : memref<2000x128xf32, #tpu.memory_space<vmem>>, vector<2000x128xf32>
    tpu.vector_store %arg5[%swap3A, %swap3A_20], %mul3A_19 {strides = array<i32>} : memref<2000x128xf32, #tpu.memory_space<vmem>>, vector<2000x128xf32>,
    %broadcast_in_dim3A_22 = vector.shape_cast %rsqrt3A : vector<2000xf32> to vector<2000x1xf32>
    %broadcast_in_dim3A_23 = vector.shape_cast %broadcast_in_dim3A_22 : vector<2000x1xf32> to vector<2000x1xf32>
    %broadcast_in_dim3A_24 = vector.broadcast %broadcast_in_dim3A_23 : vector<2000x1xf32> to vector<2000x8xf32>
    %swap3A_25 = arith.constant 0 : index
    %swap3A_26 = arith.constant 0 : index
    %swap3A_27 = vector.load %arg4[%swap3A_25, %swap3A_26] : memref<2000x8xf32, #tpu.memory_space<vmem>>, vector<2000x8xf32>
    tpu.vector_store %arg4[%swap3A_25, %swap3A_26], %broadcast_in_dim3A_24 {strides = array<i32>} : memref<2000x8xf32, #tpu.memory_space<vmem>>, vector<2000x8xf32>,
    return
  }
  func.func @transform_0(%arg0: i32) -> (i32, i32, i32) {
    %c0_i32 = arith.constant 0 : i32
    %c0_i32_0 = arith.constant 0 : i32
    %c0_i32_1 = arith.constant 0 : i32
    return %c0_i32, %arg0, %c0_i32_0 : i32, i32, i32
  }
  func.func @transform_1(%arg0: i32) -> (i32, i32) {
    %c0_i32 = arith.constant 0 : i32
    %c0_i32_0 = arith.constant 0 : i32
    return %arg0, %c0_i32 : i32, i32
  }
  func.func @transform_2(%arg0: i32) -> (i32, i32) {
    %c0_i32 = arith.constant 0 : i32
    %c0_i32_0 = arith.constant 0 : i32
    %c0_i32_1 = arith.constant 0 : i32
    return %c0_i32, %c0_i32_0 : i32, i32
  }
  func.func @transform_3(%arg0: i32) -> (i32, i32) {
    %c0_i32 = arith.constant 0 : i32
    %c0_i32_0 = arith.constant 0 : i32
    return %arg0, %c0_i32 : i32, i32
  }
  func.func @transform_4(%arg0: i32) -> (i32, i32) {
    %c0_i32 = arith.constant 0 : i32
    %c0_i32_0 = arith.constant 0 : i32
    return %arg0, %c0_i32 : i32, i32
  }
}

module attributes {stable_mosaic.version = 14 : i64} {
  func.func @_tc2_body(%arg0: i32, %arg1: memref<2x2000x128xf32, #tpu.memory_space<vmem>>, %arg2: memref<2000x128xf32, #tpu.memory_space<vmem>>, %arg3: memref<2000x8xf32, #tpu.memory_space<vmem>>, %arg4: memref<1x128xf32, #tpu.memory_space<vmem>>, %arg5: memref<128x128xf32, #tpu.memory_space<vmem>>, %arg6: memref<2000x128xf32, #tpu.memory_space<vmem>>) attributes {dimension_semantics = [#tpu.dimension_semantics<arbitrary>], iteration_bounds = array<i64: 5>, scalar_prefetch = 0 : i64, scratch_operands = 0 : i64, tpu.core_type = #tpu.core_type<tc>, window_params = [{transform_indices = @transform_0, window_bounds = array<i64: 2, 2000, 128>}, {transform_indices = @transform_1, window_bounds = array<i64: 2000, 128>}, {transform_indices = @transform_2, window_bounds = array<i64: 2000, 8>}, {pipeline_mode = #tpu.pipeline_mode<synchronous>, transform_indices = @transform_3, window_bounds = array<i64: 1, 128>}, {pipeline_mode = #tpu.pipeline_mode<synchronous>, transform_indices = @transform_4, window_bounds = array<i64: 128, 128>}, {transform_indices = @transform_5, window_bounds = array<i64: 2000, 128>}]} {
    %get3A = arith.constant 0 : index
    %get3A_0 = arith.constant 0 : index
    %get3A_1 = vector.load %arg3[%get3A, %get3A_0] : memref<2000x8xf32, #tpu.memory_space<vmem>>, vector<2000x1xf32>
    %get3A_2 = vector.shape_cast %get3A_1 : vector<2000x1xf32> to vector<2000xf32>
    %broadcast_in_dim3A = vector.shape_cast %get3A_2 : vector<2000xf32> to vector<2000x1xf32>
    %get3A_3 = arith.constant 0 : index
    %get3A_4 = arith.constant 0 : index
    %get3A_5 = arith.constant 0 : index
    %get3A_6 = vector.load %arg1[%get3A_3, %get3A_4, %get3A_5] : memref<2x2000x128xf32, #tpu.memory_space<vmem>>, vector<1x2000x128xf32>
    %get3A_7 = vector.shape_cast %get3A_6 : vector<1x2000x128xf32> to vector<2000x128xf32>
    %get3A_8 = arith.constant 1 : index
    %get3A_9 = arith.constant 0 : index
    %get3A_10 = arith.constant 0 : index
    %get3A_11 = vector.load %arg1[%get3A_8, %get3A_9, %get3A_10] : memref<2x2000x128xf32, #tpu.memory_space<vmem>>, vector<1x2000x128xf32>
    %get3A_12 = vector.shape_cast %get3A_11 : vector<1x2000x128xf32> to vector<2000x128xf32>
    %add3A = arith.addf %get3A_7, %get3A_12 : vector<2000x128xf32>
    %get3A_13 = arith.constant 0 : index
    %get3A_14 = arith.constant 0 : index
    %get3A_15 = vector.load %arg2[%get3A_13, %get3A_14] : memref<2000x128xf32, #tpu.memory_space<vmem>>, vector<2000x128xf32>
    %add3A_16 = arith.addf %add3A, %get3A_15 : vector<2000x128xf32>
    %mul3A = vector.broadcast %broadcast_in_dim3A : vector<2000x1xf32> to vector<2000x128xf32>
    %mul3A_17 = arith.mulf %add3A_16, %mul3A : vector<2000x128xf32>
    %get3A_18 = arith.constant 0 : index
    %get3A_19 = arith.constant 0 : index
    %get3A_20 = vector.load %arg4[%get3A_18, %get3A_19] : memref<1x128xf32, #tpu.memory_space<vmem>>, vector<1x128xf32>
    %add3A_21 = vector.broadcast %get3A_20 : vector<1x128xf32> to vector<2000x128xf32>
    %add3A_22 = arith.addf %mul3A_17, %add3A_21 : vector<2000x128xf32>
    %max3A = arith.constant 0.000000e+00 : f32
    %max3A_23 = vector.broadcast %max3A : f32 to vector<2000x128xf32>
    %max3A_24 = arith.maximumf %add3A_22, %max3A_23 : vector<2000x128xf32>
    %get3A_25 = arith.constant 0 : index
    %get3A_26 = arith.constant 0 : index
    %get3A_27 = vector.load %arg5[%get3A_25, %get3A_26] : memref<128x128xf32, #tpu.memory_space<vmem>>, vector<128x128xf32>
    %dot_general3A = arith.constant dense<0.000000e+00> : vector<2000x128xf32>
    %dot_general3A_28 = tpu.matmul %max3A_24, %get3A_27, %dot_general3A {dimension_numbers = #tpu.dot_dimension_numbers<[1], [0], [0], [1], [0, 0, 1, 1], [], []>, transpose_lhs_hint = false} : vector<2000x128xf32>, vector<128x128xf32>, vector<2000x128xf32> -> vector<2000x128xf32>
    %mul3A_29 = vector.broadcast %broadcast_in_dim3A : vector<2000x1xf32> to vector<2000x128xf32>
    %mul3A_30 = arith.mulf %dot_general3A_28, %mul3A_29 : vector<2000x128xf32>
    %swap3A = arith.constant 0 : index
    %swap3A_31 = arith.constant 0 : index
    %swap3A_32 = vector.load %arg6[%swap3A, %swap3A_31] : memref<2000x128xf32, #tpu.memory_space<vmem>>, vector<2000x128xf32>
    tpu.vector_store %arg6[%swap3A, %swap3A_31], %mul3A_30 {strides = array<i32>} : memref<2000x128xf32, #tpu.memory_space<vmem>>, vector<2000x128xf32>,
    return
  }
  func.func @transform_0(%arg0: i32) -> (i32, i32, i32) {
    %c0_i32 = arith.constant 0 : i32
    %c0_i32_0 = arith.constant 0 : i32
    %c0_i32_1 = arith.constant 0 : i32
    return %c0_i32, %arg0, %c0_i32_0 : i32, i32, i32
  }
  func.func @transform_1(%arg0: i32) -> (i32, i32) {
    %c0_i32 = arith.constant 0 : i32
    %c0_i32_0 = arith.constant 0 : i32
    return %arg0, %c0_i32 : i32, i32
  }
  func.func @transform_2(%arg0: i32) -> (i32, i32) {
    %c0_i32 = arith.constant 0 : i32
    %c0_i32_0 = arith.constant 0 : i32
    return %arg0, %c0_i32 : i32, i32
  }
  func.func @transform_3(%arg0: i32) -> (i32, i32) {
    %c0_i32 = arith.constant 0 : i32
    %c0_i32_0 = arith.constant 0 : i32
    %c0_i32_1 = arith.constant 0 : i32
    return %c0_i32, %c0_i32_0 : i32, i32
  }
  func.func @transform_4(%arg0: i32) -> (i32, i32) {
    %c0_i32 = arith.constant 0 : i32
    %c0_i32_0 = arith.constant 0 : i32
    %c0_i32_1 = arith.constant 0 : i32
    return %c0_i32, %c0_i32_0 : i32, i32
  }
  func.func @transform_5(%arg0: i32) -> (i32, i32) {
    %c0_i32 = arith.constant 0 : i32
    %c0_i32_0 = arith.constant 0 : i32
    return %arg0, %c0_i32 : i32, i32
  }
}

module attributes {stable_mosaic.version = 14 : i64} {
  func.func @_tc3_body(%arg0: i32, %arg1: memref<2x2000x128xf32, #tpu.memory_space<vmem>>, %arg2: memref<2000x128xf32, #tpu.memory_space<vmem>>, %arg3: memref<2000x8xf32, #tpu.memory_space<vmem>>, %arg4: memref<1x128xf32, #tpu.memory_space<vmem>>, %arg5: memref<128x8xf32, #tpu.memory_space<vmem>>, %arg6: memref<1x8xf32, #tpu.memory_space<vmem>>, %arg7: memref<2000x8xf32, #tpu.memory_space<vmem>>) attributes {dimension_semantics = [#tpu.dimension_semantics<arbitrary>], iteration_bounds = array<i64: 5>, scalar_prefetch = 0 : i64, scratch_operands = 0 : i64, tpu.core_type = #tpu.core_type<tc>, window_params = [{transform_indices = @transform_0, window_bounds = array<i64: 2, 2000, 128>}, {transform_indices = @transform_1, window_bounds = array<i64: 2000, 128>}, {transform_indices = @transform_2, window_bounds = array<i64: 2000, 8>}, {pipeline_mode = #tpu.pipeline_mode<synchronous>, transform_indices = @transform_3, window_bounds = array<i64: 1, 128>}, {pipeline_mode = #tpu.pipeline_mode<synchronous>, transform_indices = @transform_4, window_bounds = array<i64: 128, 8>}, {pipeline_mode = #tpu.pipeline_mode<synchronous>, transform_indices = @transform_5, window_bounds = array<i64: 1, 8>}, {transform_indices = @transform_6, window_bounds = array<i64: 2000, 8>}]} {
    %get3A = arith.constant 0 : index
    %get3A_0 = arith.constant 0 : index
    %get3A_1 = vector.load %arg3[%get3A, %get3A_0] : memref<2000x8xf32, #tpu.memory_space<vmem>>, vector<2000x1xf32>
    %get3A_2 = vector.shape_cast %get3A_1 : vector<2000x1xf32> to vector<2000xf32>
    %broadcast_in_dim3A = vector.shape_cast %get3A_2 : vector<2000xf32> to vector<2000x1xf32>
    %get3A_3 = arith.constant 0 : index
    %get3A_4 = arith.constant 0 : index
    %get3A_5 = arith.constant 0 : index
    %get3A_6 = vector.load %arg1[%get3A_3, %get3A_4, %get3A_5] : memref<2x2000x128xf32, #tpu.memory_space<vmem>>, vector<1x2000x128xf32>
    %get3A_7 = vector.shape_cast %get3A_6 : vector<1x2000x128xf32> to vector<2000x128xf32>
    %get3A_8 = arith.constant 1 : index
    %get3A_9 = arith.constant 0 : index
    %get3A_10 = arith.constant 0 : index
    %get3A_11 = vector.load %arg1[%get3A_8, %get3A_9, %get3A_10] : memref<2x2000x128xf32, #tpu.memory_space<vmem>>, vector<1x2000x128xf32>
    %get3A_12 = vector.shape_cast %get3A_11 : vector<1x2000x128xf32> to vector<2000x128xf32>
    %add3A = arith.addf %get3A_7, %get3A_12 : vector<2000x128xf32>
    %get3A_13 = arith.constant 0 : index
    %get3A_14 = arith.constant 0 : index
    %get3A_15 = vector.load %arg2[%get3A_13, %get3A_14] : memref<2000x128xf32, #tpu.memory_space<vmem>>, vector<2000x128xf32>
    %add3A_16 = arith.addf %add3A, %get3A_15 : vector<2000x128xf32>
    %mul3A = vector.broadcast %broadcast_in_dim3A : vector<2000x1xf32> to vector<2000x128xf32>
    %mul3A_17 = arith.mulf %add3A_16, %mul3A : vector<2000x128xf32>
    %get3A_18 = arith.constant 0 : index
    %get3A_19 = arith.constant 0 : index
    %get3A_20 = vector.load %arg4[%get3A_18, %get3A_19] : memref<1x128xf32, #tpu.memory_space<vmem>>, vector<1x128xf32>
    %add3A_21 = vector.broadcast %get3A_20 : vector<1x128xf32> to vector<2000x128xf32>
    %add3A_22 = arith.addf %mul3A_17, %add3A_21 : vector<2000x128xf32>
    %max3A = arith.constant 0.000000e+00 : f32
    %max3A_23 = vector.broadcast %max3A : f32 to vector<2000x128xf32>
    %max3A_24 = arith.maximumf %add3A_22, %max3A_23 : vector<2000x128xf32>
    %get3A_25 = arith.constant 0 : index
    %get3A_26 = arith.constant 0 : index
    %get3A_27 = vector.load %arg5[%get3A_25, %get3A_26] : memref<128x8xf32, #tpu.memory_space<vmem>>, vector<128x8xf32>
    %dot_general3A = arith.constant dense<0.000000e+00> : vector<2000x8xf32>
    %dot_general3A_28 = tpu.matmul %max3A_24, %get3A_27, %dot_general3A {dimension_numbers = #tpu.dot_dimension_numbers<[1], [0], [0], [1], [0, 0, 1, 1], [], []>, transpose_lhs_hint = false} : vector<2000x128xf32>, vector<128x8xf32>, vector<2000x8xf32> -> vector<2000x8xf32>
    %get3A_29 = arith.constant 0 : index
    %get3A_30 = arith.constant 0 : index
    %get3A_31 = vector.load %arg6[%get3A_29, %get3A_30] : memref<1x8xf32, #tpu.memory_space<vmem>>, vector<1x8xf32>
    %add3A_32 = vector.broadcast %get3A_31 : vector<1x8xf32> to vector<2000x8xf32>
    %add3A_33 = arith.addf %dot_general3A_28, %add3A_32 : vector<2000x8xf32>
    %swap3A = arith.constant 0 : index
    %swap3A_34 = arith.constant 0 : index
    %swap3A_35 = vector.load %arg7[%swap3A, %swap3A_34] : memref<2000x8xf32, #tpu.memory_space<vmem>>, vector<2000x8xf32>
    tpu.vector_store %arg7[%swap3A, %swap3A_34], %add3A_33 {strides = array<i32>} : memref<2000x8xf32, #tpu.memory_space<vmem>>, vector<2000x8xf32>,
    return
  }
  func.func @transform_0(%arg0: i32) -> (i32, i32, i32) {
    %c0_i32 = arith.constant 0 : i32
    %c0_i32_0 = arith.constant 0 : i32
    %c0_i32_1 = arith.constant 0 : i32
    return %c0_i32, %arg0, %c0_i32_0 : i32, i32, i32
  }
  func.func @transform_1(%arg0: i32) -> (i32, i32) {
    %c0_i32 = arith.constant 0 : i32
    %c0_i32_0 = arith.constant 0 : i32
    return %arg0, %c0_i32 : i32, i32
  }
  func.func @transform_2(%arg0: i32) -> (i32, i32) {
    %c0_i32 = arith.constant 0 : i32
    %c0_i32_0 = arith.constant 0 : i32
    return %arg0, %c0_i32 : i32, i32
  }
  func.func @transform_3(%arg0: i32) -> (i32, i32) {
    %c0_i32 = arith.constant 0 : i32
    %c0_i32_0 = arith.constant 0 : i32
    %c0_i32_1 = arith.constant 0 : i32
    return %c0_i32, %c0_i32_0 : i32, i32
  }
  func.func @transform_4(%arg0: i32) -> (i32, i32) {
    %c0_i32 = arith.constant 0 : i32
    %c0_i32_0 = arith.constant 0 : i32
    %c0_i32_1 = arith.constant 0 : i32
    return %c0_i32, %c0_i32_0 : i32, i32
  }
  func.func @transform_5(%arg0: i32) -> (i32, i32) {
    %c0_i32 = arith.constant 0 : i32
    %c0_i32_0 = arith.constant 0 : i32
    %c0_i32_1 = arith.constant 0 : i32
    return %c0_i32, %c0_i32_0 : i32, i32
  }
  func.func @transform_6(%arg0: i32) -> (i32, i32) {
    %c0_i32 = arith.constant 0 : i32
    %c0_i32_0 = arith.constant 0 : i32
    return %arg0, %c0_i32 : i32, i32
  }
}

</mosaic_0001>

<sc_bundles>
// kernel: kernel.11.cloned.1.call-start
scs
__scs_entry_jumppad:
0x0: {  	(pc) =	sbr.rel $0x88, $3  }
0x1: {  	(tag) =	ssettag $0x0;
	lr =	simm.s32 $0x1  }
0x2: {  	[smem:$0x3F99] =	sst lr;
	_ =	strace $0xD0000000  }
0x3: {  	_ = 	snop  }
0x4: {  	_ = 	snop  }
0x5: {  	_ = 	snop  }
0x6: {  	_ = 	snop  }
0x7: {  	_ = 	snop  }
__scs_overlays_trampoline_lowered:
0x8: {  	[smem:$0x3FA8] =	sst s0  }
0x9: {  	[smem:$0x3FA9] =	sst s1  }
0xa: {  	[smem:$0x3FAA] =	sst s2  }
0xb: {  	[smem:$0x3FAB] =	sst s3  }
0xc: {  	[smem:$0x3FAC] =	sst s4  }
0xd: {  	[smem:$0x3FAD] =	sst s5  }
0xe: {  	[smem:$0x3FAE] =	sst s6  }
0xf: {  	[smem:$0x3FAF] =	sst s7  }
0x10: {  	[smem:$0x3FB0] =	sst s8  }
0x11: {  	[smem:$0x3FB1] =	sst s9;
	s0 =	simm.s32 @!p0 $0x0  }
0x12: {  	s1 =	sld [smem:$0x3F97];
	s0 =	simm.s32 @p0 $0x1  }
0x13: {  	[smem:$0x3FB2] =	sst s0;
	s0 =	simm.s32 @!p1 $0x0  }
0x14: {  	s2 =	sld [smem:$0x3F96];
	s0 =	simm.s32 @p1 $0x1  }
0x15: {  	[smem:$0x3FB3] =	sst s0;
	s0 =	simm.s32 @!p2 $0x0  }
0x16: {  	s3 =	sld [smem:$0x3FDB];
	s0 =	simm.s32 @p2 $0x1  }
0x17: {  	s4 =	simm.s32 $0x1BF5;
	[smem:$0x3FB5] =	sst s0  }
0x18: {  	s0 =	sld [smem:$0x3F98];
	_ =	swait.ge [sflag:s4], $0x0  }
0x19: {  	s7 =	sld [smem:$0x3F99]  }
0x1a: {  	s8 =	sadd.s32 $0xFFFFE003, lr  }
0x1b: {  	s9 =	sadd.s32 $0xFFFFFEF7, lr;
	s5 =	simm.s32 $0xFFFFFFFF;
	p2 =	slt.u32 s8, $0xFFFFF086  }
0x1c: {  	p1 =	slt.u32 s9, $0xF7A;
	s5 =	simm.s32 @!p2 $0x0  }
0x1d: {  	s5 =	simm.s32 @p1 $0x1;
	p0 =	seq.s32 s7, s2  }
0x1e: {  	s7 =	smul.u32 @!p0 $0xF7A, s2;
	p2 =	seq.s32 @!p0 s5, $0x0  }
0x1f: {  	s9 =	smul.u32 $0xF7A, s1;
	s8 =	simm.s32 @!p0 $0x1BF5;
	p2 =	por !p2, p0  }
0x20: {  	[sflag:s8] =	ssyncset.s32 @!p0 $0xFFFFF086;
	s6 =	sadd.s32 @!p0 s3, s7;
	s7 =	simm.s32 @!p0 $0x108  }
0x21: {  	s3 =	sadd.s32 s3, s9;
	s6 =	sadd.s32 @!p0 $0x88, s6;
	s7 =	simm.s32 @p2 $0x1082  }
0x22: {  	[simem:s7], [sflag:s8] =	dma.local @!p0 [hbm:s6], $0xF7A  }
0x23: {  	s9 =	sor.u32 $0xD0000000, s2;
	s6 =	simm.s32 $0x108;
	_ =	swait.ge @!p0 [sflag:s8], $0x0  }
0x24: {  	s3 =	sadd.s32 $0x88, s3;
	s6 =	simm.s32 @!p1 $0x1082;
	[sflag:s4] =	ssyncset.s32 $0xFFFFF086  }
0x25: {  	[simem:s6], [sflag:s4] =	dma.local [hbm:s3], $0xF7A  }
0x26: {  	[smem:$0x3F99] =	sst s1;
	(tag) =	ssettag s2;
	_ =	strace s9  }
0x27: {  	s1 =	sld [smem:$0x3FA9]  }
0x28: {  	s2 =	sld [smem:$0x3FAA]  }
0x29: {  	s4 =	sld [smem:$0x3FAC]  }
0x2a: {  	p0 =	seq.s32 s5, $0x0;
	s5 =	sld [smem:$0x3FAD]  }
0x2b: {  	s6 =	sld [smem:$0x3FAE]  }
0x2c: {  	s7 =	sld [smem:$0x3FAF]  }
0x2d: {  	s3 =	simm.s32 $0x108;
	s8 =	sld [smem:$0x3FB0]  }
0x2e: {  	s3 =	simm.s32 @!p0 $0x1082;
	s9 =	sld [smem:$0x3FB1]  }
0x2f: {  	lr =	sadd.s32 s0, s3;
	s0 =	sld [smem:$0x3FA8]  }
0x30: {  	s3 =	sld [smem:$0x3FAB]  }
0x31: {  	[smem:$0x3FB4] =	sst s10  }
0x32: {  	s10 =	sld [smem:$0x3FB2];
	_ =	sdelay $0x3  }
0x33: {  	p0 =	seq.s32 s10, $0x1;
	s10 =	sld [smem:$0x3FB4];
	_ =	sdelay $0x3  }
0x34: {  	[smem:$0x3FB4] =	sst s10  }
0x35: {  	s10 =	sld [smem:$0x3FB3];
	_ =	sdelay $0x3  }
0x36: {  	p1 =	seq.s32 s10, $0x1;
	s10 =	sld [smem:$0x3FB4];
	_ =	sdelay $0x3  }
0x37: {  	[smem:$0x3FB4] =	sst s10  }
0x38: {  	s10 =	sld [smem:$0x3FB5]  }
0x39: {  	_ = 	snop;
	(pc) =	sbr.ind lr, $3  }
0x3a: {  	_ = 	snop  }
0x3b: {  	_ = 	snop  }
0x3c: {  	p2 =	seq.s32 s10, $0x1;
	s10 =	sld [smem:$0x3FB4]  }
0x3d: {  	_ =	shalt  }
0x3e: {  	_ =	shalt  }
0x3f: {  	_ =	shalt  }
0x40: {  	_ =	shalt  }
0x41: {  	_ =	shalt  }
0x42: {  	_ =	shalt  }
0x43: {  	_ =	shalt  }
0x44: {  	_ =	shalt  }
0x45: {  	_ =	shalt  }
0x46: {  	_ =	shalt  }
0x47: {  	_ =	shalt  }
0x48: {  	_ =	shalt  }
0x49: {  	_ =	shalt  }
0x4a: {  	_ =	shalt  }
0x4b: {  	_ =	shalt  }
0x4c: {  	_ =	shalt  }
0x4d: {  	_ =	shalt  }
0x4e: {  	_ =	shalt  }
0x4f: {  	_ =	shalt  }
0x50: {  	_ =	shalt  }
0x51: {  	_ =	shalt  }
0x52: {  	_ =	shalt  }
0x53: {  	_ =	shalt  }
0x54: {  	_ =	shalt  }
0x55: {  	_ =	shalt  }
0x56: {  	_ =	shalt  }
0x57: {  	_ =	shalt  }
0x58: {  	_ =	shalt  }
0x59: {  	_ =	shalt  }
0x5a: {  	_ =	shalt  }
0x5b: {  	_ =	shalt  }
0x5c: {  	_ =	shalt  }
0x5d: {  	_ =	shalt  }
0x5e: {  	_ =	shalt  }
0x5f: {  	_ =	shalt  }
0x60: {  	_ =	shalt  }
0x61: {  	_ =	shalt  }
0x62: {  	_ =	shalt  }
0x63: {  	_ =	shalt  }
0x64: {  	_ =	shalt  }
0x65: {  	_ =	shalt  }
0x66: {  	_ =	shalt  }
0x67: {  	_ =	shalt  }
0x68: {  	_ =	shalt  }
0x69: {  	_ =	shalt  }
0x6a: {  	_ =	shalt  }
0x6b: {  	_ =	shalt  }
0x6c: {  	_ =	shalt  }
0x6d: {  	_ =	shalt  }
0x6e: {  	_ =	shalt  }
0x6f: {  	_ =	shalt  }
0x70: {  	_ =	shalt  }
0x71: {  	_ =	shalt  }
0x72: {  	_ =	shalt  }
0x73: {  	_ =	shalt  }
0x74: {  	_ =	shalt  }
0x75: {  	_ =	shalt  }
0x76: {  	_ =	shalt  }
0x77: {  	_ =	shalt  }
0x78: {  	_ =	shalt  }
0x79: {  	_ =	shalt  }
0x7a: {  	_ =	shalt  }
0x7b: {  	_ =	shalt  }
0x7c: {  	_ =	shalt  }
0x7d: {  	_ =	shalt  }
0x7e: {  	_ =	shalt  }
0x7f: {  	_ =	shalt  }
0x80: {  	_ =	shalt  }
0x81: {  	_ =	shalt  }
0x82: {  	_ =	shalt  }
0x83: {  	_ =	shalt  }
0x84: {  	_ =	shalt  }
0x85: {  	_ =	shalt  }
0x86: {  	_ =	shalt  }
0x87: {  	_ =	shalt  }
.Lfunc_end0:
.L_simem_size_0:
called_computation.1_lowered:
.L_overlay_start_0:
0x88: {  	s2 =	sld [smem:$0x3FD9]  }
0x89: {  	s3 =	sld [smem:$0x3FFE];
	_ =	sdelay $0x1  }
0x8a: {  	s1 =	srdreg.scid  }
0x8b: {  	s0 =	sand.u32 $0x1, s1  }
0x8c: {  	s16 =	sshll.u32 s0, $0xA;
	s2 =	sadd.s32 s3, s2  }
0x8d: {  	s2 =	sadd.s32 s2, s16  }
0x8e: {  	[smem:$0x3FC0] =	sst s2  }
0x8f: {  	_ = 	snop  }
0x90: {  	(tm) =	ssettm $0x1  }
0x91: {  	s17 =	sld [smem:$0x3FFB];
	_ =	sdelay $0x3  }
0x92: {  	_ =	strace s17  }
0x93: {  	s2 =	sld [smem:$0x3FFC];
	_ =	sdelay $0x3  }
0x94: {  	_ =	strace s2  }
0x95: {  	s2 =	sld [smem:$0x3FFD];
	_ =	sdelay $0x3  }
0x96: {  	_ =	strace s2  }
0x97: {  	_ =	strace $0x8FFFFFFF  }
0x98: {  	s18 =	sld [smem:$0x3FDB];
	_ =	sdelay $0x1  }
0x99: {  	s19 =	simm.s32 $_scs_section_size  }
0x9a: {  	s4 =	simm.s32 $_size__tile_overlayer_lowered;
	s5 =	simm.s32 $_tile_overlayer_lowered  }
0x9b: {  	s22 =	simm.s32 $0x1BFF;
	s21 =	sshll.u32 s5, $0x1;
	s2 =	sadd.s32 s19, s18  }
0x9c: {  	s6 =	simm.s32 $0x0;
	s20 =	sshll.u32 s4, $0x1;
	s4 =	sadd.s32 s21, s2  }
0x9d: {  	[timem:s6], [sflag:s22] =	dma.local [hbm:s4], s20  }
0x9e: {  	_ =	swait.ge [sflag:s22], s20  }
0x9f: {  	s3 =	ssub.s32 $0x0, s20;
	[sflag:s22] =	ssyncset.done $0x0  }
0xa0: {  	[sflag:s22] =	ssyncadd.s32 s3;
	_ =	sdelay $0x1  }
0xa1: {  	s23 =	simm.s32 $0x1B8B  }
0xa2: {  	_ =	swait.ge [sflag:s23], $0x1  }
0xa3: {  	[sflag:s23] =	ssyncset.done $0x0  }
0xa4: {  	s25 =	simm.s32 $0x1B8E;
	s24 =	sld [smem:$0x3FFE];
	[sflag:s23] =	ssyncadd.s32 $0xFFFFFFFF  }
0xa5: {  	s26 =	simm.s32 $execute0_lowered;
	[smem:$0x3FD2] =	sst s25  }
0xa6: {  	s4 =	sshll.u32 s26, $0x1;
	_ =	strace $0x80000049;
	[dreg:$0x1] =	wrdreg $0xFFFFFFFF  }
0xa7: {  	s28 =	simm.s32 $_size_execute0_lowered;
	s2 =	sadd.s32 s2, s4;
	[dreg:$0x0] =	wrdreg $0x0  }
0xa8: {  	s4 =	sshll.u32 s28, $0x1;
	[dreg:$0x2] =	wrdreg s2  }
0xa9: {  	[dreg:$0x3] =	wrdreg s4  }
0xaa: {  	[dreg:$0x4] =	wrdreg $0xC0  }
0xab: {  	_ =	task [dreg:s6], $0x5FFFF  }
0xac: {  	[dreg:$0x1] =	wrdreg $0xFFFFFFFF  }
0xad: {  	[dreg:$0x0] =	wrdreg $0x60  }
0xae: {  	[dreg:$0x2] =	wrdreg s24  }
0xaf: {  	[dreg:$0x3] =	wrdreg $0x70000  }
0xb0: {  	[dreg:$0x4] =	wrdreg $0x9  }
0xb1: {  	_ =	task.clear_ibuf [dreg:s6], $0x5FFFF;
	_ =	strace $0x90000049  }
0xb2: {  	s29 =	simm.s32 $0x9;
	_ =	strace $0x8000004B  }
0xb3: {  	_ =	swait.ge [sflag:s29], $0x1  }
0xb4: {  	[sflag:s29] =	ssyncadd.s32 $0xFFFFFFFF  }
0xb5: {  	_ =	strace $0x9000004B  }
0xb6: {  	_ =	sfence  }
0xb7: {  	s30 =	sld [smem:$0x0];
	_ =	sdelay $0x2  }
0xb8: {  	s31 =	sshll.u32 s1, $0xD;
	s1 =	sshrl.u32 s1, $0x2  }
0xb9: {  	s3 =	sand.u32 $0x4000, s31;
	s1 =	sadd.s32 s1, s30  }
0xba: {  	s0 =	sor.u32 s3, s0;
	s1 =	sshll.u32 s1, $0x11  }
0xbb: {  	s0 =	sor.u32 s1, s0  }
0xbc: {  	s0 =	sadd.s32 $0x8F2B, s0  }
0xbd: {  	[sflag:s0] =	ssyncadd.remote.s32 $0x1  }
0xbe: {  	_ =	sfence.sel $0xFFFF  }
0xbf: {  	[dreg:$0x0] =	wrdreg $0xFFFFFFFF;
	(pc) =	sbr.abs _section_cstart, $3  }
0xc0: {  	[dreg:$0x1] =	wrdreg $0xFFFFFFFF  }
0xc1: {  	_ =	task.clear_ibuf [dreg:s6], $0x2FFFF;
	_ =	strace $0x9FFFFFFF  }
0xc2: {  	(tm) =	ssettm $0x7FFFFFFF  }
0xc3: {  	_ =	shalt  }
tec
execute0_lowered:
.L_overlay_start_1:
0x0: {  	(tag) =	ssettag $0x1  }
0x1: {  	s8 =	rddreg [dreg:$0x0]  }
0x2: {  	s1 =	rddreg [dreg:$0x1]  }
0x3: {  	s0 =	rddreg [dreg:$0x2];
	s3 =	simm.s32 $0x0;
	s2 =	srdreg.scid  }
0x4: {  	s14 =	simm.s32 $0x1000;
	s15 =	simm.s32 $0x50;
	s16 =	simm.s32 $0x2000  }
0x5: {  	s17 =	simm.s32 $0x80;
	s18 =	simm.s32 $0x4800;
	s19 =	simm.s32 $0x1  }
0x6: {  	s20 =	simm.s32 $0x2;
	s21 =	simm.s32 $0x1B00;
	s22 =	simm.s32 $0xC00  }
0x7: {  	s23 =	simm.s32 $0x1B80;
	s24 =	simm.s32 $0x1C00;
	[smem:$0x7FF] =	sst s3  }
0x8: {  	s9 =	sand.u32 $0x1, s2;
	s2 =	stileid.u32;
	s4 =	sadd.s32 $0x2B400, s8  }
0x9: {  	s5 =	sadd.s32 $0x17400, s8;
	s6 =	sadd.s32 $0x2800, s8;
	s10 =	smul.u32 $0x140000, s9  }
0xa: {  	s7 =	sadd.s32 $0x52600, s8;
	_ =	strace $0x8000004A;
	s11 =	smul.u32 $0x14000, s2  }
0xb: {  	s28 =	ssub.s32 $0x2, s9;
	s13 =	smul.u32 $0x50000, s2;
	s29 =	sshll.u32 s9, $0x4  }
0xc: {  	s31 =	sshll.u32 s2, $0x6;
	s12 =	sshrl.u32 s28, $0x1;
	s9 =	sor.u32 s2, s29  }
0xd: {  	s10 =	sadd.s32 s11, s10;
	s11 =	ssub.s32 s28, s12;
	s30 =	sshrl.u32 s13, $0x2  }
0xe: {  	s9 =	smul.u32 $0x5000, s9;
	s10 =	sshrl.u32 s10, $0x3;
	s13 =	sadd.s32 s30, s1  }
0xf: {  	s11 =	smax.u32 s11, $0x1;
	s10 =	sadd.s32 s10, s8;
	s8 =	sor.u32 $0x1C03, s31  }
0x10: {  	s12 =	sshrl.u32 s13, $0x3;
	s13 =	simm.s32 $0x3;
	s10 =	sadd.s32 $0x54E00, s10  }
.LBB2_1:
0x11: {  	[spmem:s12], [sflag:s8] =	dma.local [hbm:s7], $0x2800  }
0x12: {  	_ =	swait.ge [sflag:s13], $0x2800  }
0x13: {  	[sflag:s13] =	ssyncset.done $0x0  }
0x14: {  	[sflag:s13] =	ssyncadd.s32 $0xFFFFD800  }
0x15: {  	s25 =	simm.s32 $0x0;
	[bflag:$0x0] =	sbarrier.arrive $0xFFFF  }
.LBB2_2:
0x16: {  	s26 =	sshll.u32 s25, $0xC  }
0x17: {  	s26 =	sadd.s32 s9, s26  }
0x18: {  	s26 =	sshrl.u32 s26, $0x3  }
0x19: {  	s29 =	simm.s32 $0x0;
	s28 =	sadd.s32 s5, s26  }
0x1a: {  	[tilespmem:s29], [sflag:$0x3] =	stream.linear.gather [hbm4b:s28+s29], $0xC80, $0x38;
	[tilespmem:$0x1B000] =	vst v63  }
0x1b: {  	_ =	swait.ge [sflag:s13], $0xC80  }
0x1c: {  	[sflag:s13] =	ssyncset.done $0x0  }
0x1d: {  	s26 =	sadd.s32 s6, s26;
	[sflag:s13] =	ssyncadd.s32 $0xFFFFF380  }
0x1e: {  	[tilespmem:s14], [sflag:$0x3] =	stream.linear.gather [hbm4b:s26+s29], $0xC80, $0x38;
	[tilespmem:$0x1B000] =	vst v63  }
0x1f: {  	_ =	swait.ge [sflag:s13], $0xC80  }
0x20: {  	[sflag:s13] =	ssyncset.done $0x0  }
0x21: {  	[sflag:s13] =	ssyncadd.s32 $0xFFFFF380  }
0x22: {  	[tilespmem:s16], [sflag:$0x1] =	stream.indirect.gather [hbm4b:s4+s15], $0x80, s29, s15, $0xb8;
	[tilespmem:$0x1B000] =	vst v63  }
0x23: {  	_ = 	snop  }
0x24: {  	[tilespmem:s18], [sflag:$0x2] =	stream.indirect.gather [hbm4b:s4+s15], $0x80, s17, s15, $0xb8;
	[tilespmem:$0x1B000] =	vst v63  }
0x25: {  	_ =	swait.ge [sflag:s19], $0x2800  }
0x26: {  	[sflag:s19] =	ssyncset.done $0x0  }
0x27: {  	s29 =	simm.s32 $0x1000;
	[sflag:s19] =	ssyncadd.s32 $0xFFFFD800  }
0x28: {  	[spmem:s1] =	stream.indirect.scatter.add.f32 [tilespmem:s16], [sflag:$0x3], $0x80, s29, s15, $0xb8;
	[tilespmem:$0x1B000] =	vst v63  }
0x29: {  	_ =	swait.ge [sflag:s13], $0x2800  }
0x2a: {  	[sflag:s13] =	ssyncset.done $0x0  }
0x2b: {  	s30 =	simm.s32 $0x100;
	[sflag:s13] =	ssyncadd.s32 $0xFFFFD800  }
0x2c: {  	[tilespmem:s16], [sflag:$0x1] =	stream.indirect.gather [hbm4b:s4+s15], $0x80, s30, s15, $0xb8;
	[tilespmem:$0x1B000] =	vst v63  }
0x2d: {  	_ =	swait.ge [sflag:s20], $0x2800  }
0x2e: {  	[sflag:s20] =	ssyncset.done $0x0  }
0x2f: {  	s31 =	simm.s32 $0x1080;
	[sflag:s20] =	ssyncadd.s32 $0xFFFFD800  }
0x30: {  	[spmem:s1] =	stream.indirect.scatter.add.f32 [tilespmem:s18], [sflag:$0x3], $0x80, s31, s15, $0xb8;
	[tilespmem:$0x1B000] =	vst v63  }
0x31: {  	_ =	swait.ge [sflag:s13], $0x2800  }
0x32: {  	[sflag:s13] =	ssyncset.done $0x0  }
0x33: {  	s28 =	simm.s32 $0x180;
	s26 =	simm.s32 $0x400;
	[sflag:s13] =	ssyncadd.s32 $0xFFFFD800  }
.LBB2_3:
0x34: {  	[tilespmem:s18], [sflag:$0x2] =	stream.indirect.gather [hbm4b:s4+s15], $0x80, s28, s15, $0xb8;
	[tilespmem:$0x1B000] =	vst v63  }
0x35: {  	s28 =	smov.u32 s26  }
0x36: {  	p0 =	sne.s32 s26, $0x2800;
	s26 =	sadd.s32 $0x400, s26;
	_ =	swait.ge [sflag:s19], $0x2800  }
0x37: {  	s28 =	sshra.s32 s28, $0x2;
	[sflag:s19] =	ssyncset.done $0x0  }
0x38: {  	s29 =	sadd.s32 $0x1000, s28;
	[sflag:s19] =	ssyncadd.s32 $0xFFFFD800  }
0x39: {  	[spmem:s1] =	stream.indirect.scatter.add.f32 [tilespmem:s16], [sflag:$0x3], $0x80, s29, s15, $0xb8;
	[tilespmem:$0x1B000] =	vst v63  }
0x3a: {  	_ =	swait.ge [sflag:s13], $0x2800  }
0x3b: {  	[sflag:s13] =	ssyncset.done $0x0  }
0x3c: {  	s29 =	sadd.s32 $0x100, s28;
	[sflag:s13] =	ssyncadd.s32 $0xFFFFD800  }
0x3d: {  	[tilespmem:s16], [sflag:$0x1] =	stream.indirect.gather [hbm4b:s4+s15], $0x80, s29, s15, $0xb8;
	[tilespmem:$0x1B000] =	vst v63  }
0x3e: {  	_ =	swait.ge [sflag:s20], $0x2800  }
0x3f: {  	[sflag:s20] =	ssyncset.done $0x0  }
.Ltmp0:
0x40: {  	s29 =	sadd.s32 $0x1080, s28;
	[sflag:s20] =	ssyncadd.s32 $0xFFFFD800;
	(pc) =	sbr.rel @p0 .LBB2_3-.Ltmp0, $4  }
0x41: {  	[spmem:s1] =	stream.indirect.scatter.add.f32 [tilespmem:s18], [sflag:$0x3], $0x80, s29, s15, $0xb8;
	[tilespmem:$0x1B000] =	vst v63  }
0x42: {  	_ =	swait.ge [sflag:s13], $0x2800  }
0x43: {  	[sflag:s13] =	ssyncset.done $0x0  }
0x44: {  	s28 =	sadd.s32 $0x180, s28;
	[sflag:s13] =	ssyncadd.s32 $0xFFFFD800  }
0x45: {  	[tilespmem:s18], [sflag:$0x2] =	stream.indirect.gather [hbm4b:s4+s15], $0x80, s28, s15, $0xb8;
	[tilespmem:$0x1B000] =	vst v63  }
0x46: {  	_ =	swait.ge [sflag:s19], $0x2800  }
0x47: {  	[sflag:s19] =	ssyncset.done $0x0  }
0x48: {  	[sflag:s19] =	ssyncadd.s32 $0xFFFFD800  }
0x49: {  	[spmem:s1] =	stream.indirect.scatter.add.f32 [tilespmem:s16], [sflag:$0x3], $0x80, s21, s15, $0xb8;
	[tilespmem:$0x1B000] =	vst v63  }
0x4a: {  	_ =	swait.ge [sflag:s13], $0x2800  }
0x4b: {  	[sflag:s13] =	ssyncset.done $0x0  }
0x4c: {  	[sflag:s13] =	ssyncadd.s32 $0xFFFFD800  }
0x4d: {  	[tilespmem:s16], [sflag:$0x1] =	stream.indirect.gather [hbm4b:s4+s15], $0x80, s22, s15, $0xb8;
	[tilespmem:$0x1B000] =	vst v63  }
0x4e: {  	_ =	swait.ge [sflag:s20], $0x2800  }
0x4f: {  	[sflag:s20] =	ssyncset.done $0x0  }
0x50: {  	[sflag:s20] =	ssyncadd.s32 $0xFFFFD800  }
0x51: {  	[spmem:s1] =	stream.indirect.scatter.add.f32 [tilespmem:s18], [sflag:$0x3], $0x80, s23, s15, $0xb8;
	[tilespmem:$0x1B000] =	vst v63  }
0x52: {  	_ =	swait.ge [sflag:s13], $0x2800  }
0x53: {  	[sflag:s13] =	ssyncset.done $0x0  }
0x54: {  	[sflag:s13] =	ssyncadd.s32 $0xFFFFD800  }
0x55: {  	s25 =	sadd.s32 $0x1, s25;
	_ =	swait.ge [sflag:s19], $0x2800  }
0x56: {  	p0 =	sne.s32 s25, $0x5;
	[sflag:s19] =	ssyncset.done $0x0  }
.Ltmp1:
0x57: {  	[sflag:s19] =	ssyncadd.s32 $0xFFFFD800;
	(pc) =	sbr.rel @p0 .LBB2_2-.Ltmp1, $4  }
0x58: {  	[spmem:s1] =	stream.indirect.scatter.add.f32 [tilespmem:s16], [sflag:$0x3], $0x80, s24, s15, $0xb8;
	[tilespmem:$0x1B000] =	vst v63  }
0x59: {  	_ =	swait.ge [sflag:s13], $0x2800  }
0x5a: {  	[sflag:s13] =	ssyncset.done $0x0  }
0x5b: {  	[sflag:s13] =	ssyncadd.s32 $0xFFFFD800  }
0x5c: {  	s3 =	sadd.s32 $0x1, s3  }
0x5d: {  	p0 =	sne.s32 s3, s11  }
.Ltmp2:
0x5e: {  	[bflag:$0x0] =	sbarrier.arrive $0xFFFF;
	(pc) =	sbr.rel @p0 .LBB2_1-.Ltmp2, $4  }
0x5f: {  	[hbm:s10], [sflag:s8] =	dma.local [spmem:s12], $0x2800  }
0x60: {  	_ =	swait.ge [sflag:s13], $0x2800  }
0x61: {  	[sflag:s13] =	ssyncset.done $0x0  }
0x62: {  	[sflag:s13] =	ssyncadd.s32 $0xFFFFD800  }
0x63: {  	_ =	sfence.sel $0x180000  }
0x64: {  	[bflag:$0x0] =	sbarrier.arrive $0xFFFF  }
0x65: {  	p0 =	sne.s32 s2, $0x0;
	_ =	strace $0x9000004A  }
0x66: {  	s0 =	sadd.s32 @!p0 $0x100000, s0;
	[bflag:$0x2] =	sbarrier.arrive $0xFFFF  }
0x67: {  	[sflag:s0] =	ssyncadd.tile.s32 @!p0 $0x1;
	_ =	shalt  }
.Lfunc_end2:
_tile_overlayer_lowered:
.L_overlay_start_2:
0x68: {  	(tag) =	ssettag $0x2  }
0x69: {  	s0 =	rddreg [dreg:$0x0];
	s2 =	stileid.u32  }
0x6a: {  	s1 =	rddreg [dreg:$0x1];
	p0 =	sne.s32 s2, $0x0  }
0x6b: {  	s3 =	rddreg [dreg:$0x2];
	[bflag:$0x3] =	sbarrier.arrive $0xFFFF;
	s2 =	simm.s32 @!p0 $0x1C03  }
0x6c: {  	[timem:s3], [sflag:s2] =	dma.local @!p0 [hbm:s0], s1  }
0x6d: {  	s0 =	simm.s32 @!p0 $0x3  }
0x6e: {  	_ =	swait.ge @!p0 [sflag:s0], s1  }
0x6f: {  	s1 =	ssub.s32 @!p0 $0x0, s1;
	[sflag:s0] =	ssyncset.done @!p0 $0x0  }
0x70: {  	[sflag:s0] =	ssyncadd.s32 @!p0 s1  }
0x71: {  	[bflag:$0x3] =	sbarrier.arrive $0xFFFF  }
0x72: {  	_ =	shalt  }

// kernel: kernel.14.cloned.1.call-start
scs
__scs_entry_jumppad:
0x0: {  	(pc) =	sbr.rel $0x88, $3  }
0x1: {  	(tag) =	ssettag $0x0;
	lr =	simm.s32 $0x1  }
0x2: {  	[smem:$0x3F99] =	sst lr;
	_ =	strace $0xD0000000  }
0x3: {  	_ = 	snop  }
0x4: {  	_ = 	snop  }
0x5: {  	_ = 	snop  }
0x6: {  	_ = 	snop  }
0x7: {  	_ = 	snop  }
__scs_overlays_trampoline_lowered:
0x8: {  	[smem:$0x3FA8] =	sst s0  }
0x9: {  	[smem:$0x3FA9] =	sst s1  }
0xa: {  	[smem:$0x3FAA] =	sst s2  }
0xb: {  	[smem:$0x3FAB] =	sst s3  }
0xc: {  	[smem:$0x3FAC] =	sst s4  }
0xd: {  	[smem:$0x3FAD] =	sst s5  }
0xe: {  	[smem:$0x3FAE] =	sst s6  }
0xf: {  	[smem:$0x3FAF] =	sst s7  }
0x10: {  	[smem:$0x3FB0] =	sst s8  }
0x11: {  	[smem:$0x3FB1] =	sst s9;
	s0 =	simm.s32 @!p0 $0x0  }
0x12: {  	s1 =	sld [smem:$0x3F97];
	s0 =	simm.s32 @p0 $0x1  }
0x13: {  	[smem:$0x3FB2] =	sst s0;
	s0 =	simm.s32 @!p1 $0x0  }
0x14: {  	s2 =	sld [smem:$0x3F96];
	s0 =	simm.s32 @p1 $0x1  }
0x15: {  	[smem:$0x3FB3] =	sst s0;
	s0 =	simm.s32 @!p2 $0x0  }
0x16: {  	s3 =	sld [smem:$0x3FDB];
	s0 =	simm.s32 @p2 $0x1  }
0x17: {  	s4 =	simm.s32 $0x1BF5;
	[smem:$0x3FB5] =	sst s0  }
0x18: {  	s0 =	sld [smem:$0x3F98];
	_ =	swait.ge [sflag:s4], $0x0  }
0x19: {  	s7 =	sld [smem:$0x3F99]  }
0x1a: {  	s8 =	sadd.s32 $0xFFFFE003, lr  }
0x1b: {  	s9 =	sadd.s32 $0xFFFFFEF7, lr;
	s5 =	simm.s32 $0xFFFFFFFF;
	p2 =	slt.u32 s8, $0xFFFFF086  }
0x1c: {  	p1 =	slt.u32 s9, $0xF7A;
	s5 =	simm.s32 @!p2 $0x0  }
0x1d: {  	s5 =	simm.s32 @p1 $0x1;
	p0 =	seq.s32 s7, s2  }
0x1e: {  	s7 =	smul.u32 @!p0 $0xF7A, s2;
	p2 =	seq.s32 @!p0 s5, $0x0  }
0x1f: {  	s9 =	smul.u32 $0xF7A, s1;
	s8 =	simm.s32 @!p0 $0x1BF5;
	p2 =	por !p2, p0  }
0x20: {  	[sflag:s8] =	ssyncset.s32 @!p0 $0xFFFFF086;
	s6 =	sadd.s32 @!p0 s3, s7;
	s7 =	simm.s32 @!p0 $0x108  }
0x21: {  	s3 =	sadd.s32 s3, s9;
	s6 =	sadd.s32 @!p0 $0x88, s6;
	s7 =	simm.s32 @p2 $0x1082  }
0x22: {  	[simem:s7], [sflag:s8] =	dma.local @!p0 [hbm:s6], $0xF7A  }
0x23: {  	s9 =	sor.u32 $0xD0000000, s2;
	s6 =	simm.s32 $0x108;
	_ =	swait.ge @!p0 [sflag:s8], $0x0  }
0x24: {  	s3 =	sadd.s32 $0x88, s3;
	s6 =	simm.s32 @!p1 $0x1082;
	[sflag:s4] =	ssyncset.s32 $0xFFFFF086  }
0x25: {  	[simem:s6], [sflag:s4] =	dma.local [hbm:s3], $0xF7A  }
0x26: {  	[smem:$0x3F99] =	sst s1;
	(tag) =	ssettag s2;
	_ =	strace s9  }
0x27: {  	s1 =	sld [smem:$0x3FA9]  }
0x28: {  	s2 =	sld [smem:$0x3FAA]  }
0x29: {  	s4 =	sld [smem:$0x3FAC]  }
0x2a: {  	p0 =	seq.s32 s5, $0x0;
	s5 =	sld [smem:$0x3FAD]  }
0x2b: {  	s6 =	sld [smem:$0x3FAE]  }
0x2c: {  	s7 =	sld [smem:$0x3FAF]  }
0x2d: {  	s3 =	simm.s32 $0x108;
	s8 =	sld [smem:$0x3FB0]  }
0x2e: {  	s3 =	simm.s32 @!p0 $0x1082;
	s9 =	sld [smem:$0x3FB1]  }
0x2f: {  	lr =	sadd.s32 s0, s3;
	s0 =	sld [smem:$0x3FA8]  }
0x30: {  	s3 =	sld [smem:$0x3FAB]  }
0x31: {  	[smem:$0x3FB4] =	sst s10  }
0x32: {  	s10 =	sld [smem:$0x3FB2];
	_ =	sdelay $0x3  }
0x33: {  	p0 =	seq.s32 s10, $0x1;
	s10 =	sld [smem:$0x3FB4];
	_ =	sdelay $0x3  }
0x34: {  	[smem:$0x3FB4] =	sst s10  }
0x35: {  	s10 =	sld [smem:$0x3FB3];
	_ =	sdelay $0x3  }
0x36: {  	p1 =	seq.s32 s10, $0x1;
	s10 =	sld [smem:$0x3FB4];
	_ =	sdelay $0x3  }
0x37: {  	[smem:$0x3FB4] =	sst s10  }
0x38: {  	s10 =	sld [smem:$0x3FB5]  }
0x39: {  	_ = 	snop;
	(pc) =	sbr.ind lr, $3  }
0x3a: {  	_ = 	snop  }
0x3b: {  	_ = 	snop  }
0x3c: {  	p2 =	seq.s32 s10, $0x1;
	s10 =	sld [smem:$0x3FB4]  }
0x3d: {  	_ =	shalt  }
0x3e: {  	_ =	shalt  }
0x3f: {  	_ =	shalt  }
0x40: {  	_ =	shalt  }
0x41: {  	_ =	shalt  }
0x42: {  	_ =	shalt  }
0x43: {  	_ =	shalt  }
0x44: {  	_ =	shalt  }
0x45: {  	_ =	shalt  }
0x46: {  	_ =	shalt  }
0x47: {  	_ =	shalt  }
0x48: {  	_ =	shalt  }
0x49: {  	_ =	shalt  }
0x4a: {  	_ =	shalt  }
0x4b: {  	_ =	shalt  }
0x4c: {  	_ =	shalt  }
0x4d: {  	_ =	shalt  }
0x4e: {  	_ =	shalt  }
0x4f: {  	_ =	shalt  }
0x50: {  	_ =	shalt  }
0x51: {  	_ =	shalt  }
0x52: {  	_ =	shalt  }
0x53: {  	_ =	shalt  }
0x54: {  	_ =	shalt  }
0x55: {  	_ =	shalt  }
0x56: {  	_ =	shalt  }
0x57: {  	_ =	shalt  }
0x58: {  	_ =	shalt  }
0x59: {  	_ =	shalt  }
0x5a: {  	_ =	shalt  }
0x5b: {  	_ =	shalt  }
0x5c: {  	_ =	shalt  }
0x5d: {  	_ =	shalt  }
0x5e: {  	_ =	shalt  }
0x5f: {  	_ =	shalt  }
0x60: {  	_ =	shalt  }
0x61: {  	_ =	shalt  }
0x62: {  	_ =	shalt  }
0x63: {  	_ =	shalt  }
0x64: {  	_ =	shalt  }
0x65: {  	_ =	shalt  }
0x66: {  	_ =	shalt  }
0x67: {  	_ =	shalt  }
0x68: {  	_ =	shalt  }
0x69: {  	_ =	shalt  }
0x6a: {  	_ =	shalt  }
0x6b: {  	_ =	shalt  }
0x6c: {  	_ =	shalt  }
0x6d: {  	_ =	shalt  }
0x6e: {  	_ =	shalt  }
0x6f: {  	_ =	shalt  }
0x70: {  	_ =	shalt  }
0x71: {  	_ =	shalt  }
0x72: {  	_ =	shalt  }
0x73: {  	_ =	shalt  }
0x74: {  	_ =	shalt  }
0x75: {  	_ =	shalt  }
0x76: {  	_ =	shalt  }
0x77: {  	_ =	shalt  }
0x78: {  	_ =	shalt  }
0x79: {  	_ =	shalt  }
0x7a: {  	_ =	shalt  }
0x7b: {  	_ =	shalt  }
0x7c: {  	_ =	shalt  }
0x7d: {  	_ =	shalt  }
0x7e: {  	_ =	shalt  }
0x7f: {  	_ =	shalt  }
0x80: {  	_ =	shalt  }
0x81: {  	_ =	shalt  }
0x82: {  	_ =	shalt  }
0x83: {  	_ =	shalt  }
0x84: {  	_ =	shalt  }
0x85: {  	_ =	shalt  }
0x86: {  	_ =	shalt  }
0x87: {  	_ =	shalt  }
.Lfunc_end0:
.L_simem_size_0:
called_computation.2_lowered:
.L_overlay_start_0:
0x88: {  	s2 =	sld [smem:$0x3FD9]  }
0x89: {  	s3 =	sld [smem:$0x3FFE];
	_ =	sdelay $0x1  }
0x8a: {  	s1 =	srdreg.scid  }
0x8b: {  	s0 =	sand.u32 $0x1, s1  }
0x8c: {  	s16 =	sshll.u32 s0, $0xA;
	s2 =	sadd.s32 s3, s2  }
0x8d: {  	s2 =	sadd.s32 s2, s16  }
0x8e: {  	[smem:$0x3FC0] =	sst s2  }
0x8f: {  	_ = 	snop  }
0x90: {  	(tm) =	ssettm $0x1  }
0x91: {  	s17 =	sld [smem:$0x3FFB];
	_ =	sdelay $0x3  }
0x92: {  	_ =	strace s17  }
0x93: {  	s2 =	sld [smem:$0x3FFC];
	_ =	sdelay $0x3  }
0x94: {  	_ =	strace s2  }
0x95: {  	s2 =	sld [smem:$0x3FFD];
	_ =	sdelay $0x3  }
0x96: {  	_ =	strace s2  }
0x97: {  	_ =	strace $0x8FFFFFFF  }
0x98: {  	s18 =	sld [smem:$0x3FDB];
	_ =	sdelay $0x1  }
0x99: {  	s19 =	simm.s32 $_scs_section_size  }
0x9a: {  	s4 =	simm.s32 $_size__tile_overlayer_lowered;
	s5 =	simm.s32 $_tile_overlayer_lowered  }
0x9b: {  	s22 =	simm.s32 $0x1BFF;
	s21 =	sshll.u32 s5, $0x1;
	s2 =	sadd.s32 s19, s18  }
0x9c: {  	s6 =	simm.s32 $0x0;
	s20 =	sshll.u32 s4, $0x1;
	s4 =	sadd.s32 s21, s2  }
0x9d: {  	[timem:s6], [sflag:s22] =	dma.local [hbm:s4], s20  }
0x9e: {  	_ =	swait.ge [sflag:s22], s20  }
0x9f: {  	s3 =	ssub.s32 $0x0, s20;
	[sflag:s22] =	ssyncset.done $0x0  }
0xa0: {  	[sflag:s22] =	ssyncadd.s32 s3;
	_ =	sdelay $0x1  }
0xa1: {  	s23 =	simm.s32 $0x1B8B  }
0xa2: {  	_ =	swait.ge [sflag:s23], $0x1  }
0xa3: {  	[sflag:s23] =	ssyncset.done $0x0  }
0xa4: {  	s25 =	simm.s32 $0x1B8E;
	s24 =	sld [smem:$0x3FFE];
	[sflag:s23] =	ssyncadd.s32 $0xFFFFFFFF  }
0xa5: {  	s26 =	simm.s32 $execute0_lowered;
	[smem:$0x3FD2] =	sst s25  }
0xa6: {  	s4 =	sshll.u32 s26, $0x1;
	_ =	strace $0x8000004C;
	[dreg:$0x1] =	wrdreg $0xFFFFFFFF  }
0xa7: {  	s28 =	simm.s32 $_size_execute0_lowered;
	s2 =	sadd.s32 s2, s4;
	[dreg:$0x0] =	wrdreg $0x0  }
0xa8: {  	s4 =	sshll.u32 s28, $0x1;
	[dreg:$0x2] =	wrdreg s2  }
0xa9: {  	[dreg:$0x3] =	wrdreg s4  }
0xaa: {  	[dreg:$0x4] =	wrdreg $0xC0  }
0xab: {  	_ =	task [dreg:s6], $0x5FFFF  }
0xac: {  	[dreg:$0x1] =	wrdreg $0xFFFFFFFF  }
0xad: {  	[dreg:$0x0] =	wrdreg $0x60  }
0xae: {  	[dreg:$0x2] =	wrdreg s24  }
0xaf: {  	[dreg:$0x3] =	wrdreg $0x70000  }
0xb0: {  	[dreg:$0x4] =	wrdreg $0x9  }
0xb1: {  	_ =	task.clear_ibuf [dreg:s6], $0x5FFFF;
	_ =	strace $0x9000004C  }
0xb2: {  	s29 =	simm.s32 $0x9;
	_ =	strace $0x8000004E  }
0xb3: {  	_ =	swait.ge [sflag:s29], $0x1  }
0xb4: {  	[sflag:s29] =	ssyncadd.s32 $0xFFFFFFFF  }
0xb5: {  	_ =	strace $0x9000004E  }
0xb6: {  	_ =	sfence  }
0xb7: {  	s30 =	sld [smem:$0x0];
	_ =	sdelay $0x2  }
0xb8: {  	s31 =	sshll.u32 s1, $0xD;
	s1 =	sshrl.u32 s1, $0x2  }
0xb9: {  	s3 =	sand.u32 $0x4000, s31;
	s1 =	sadd.s32 s1, s30  }
0xba: {  	s0 =	sor.u32 s3, s0;
	s1 =	sshll.u32 s1, $0x11  }
0xbb: {  	s0 =	sor.u32 s1, s0  }
0xbc: {  	s0 =	sadd.s32 $0x8F2B, s0  }
0xbd: {  	[sflag:s0] =	ssyncadd.remote.s32 $0x1  }
0xbe: {  	_ =	sfence.sel $0xFFFF  }
0xbf: {  	[dreg:$0x0] =	wrdreg $0xFFFFFFFF;
	(pc) =	sbr.abs _section_cstart, $3  }
0xc0: {  	[dreg:$0x1] =	wrdreg $0xFFFFFFFF  }
0xc1: {  	_ =	task.clear_ibuf [dreg:s6], $0x2FFFF;
	_ =	strace $0x9FFFFFFF  }
0xc2: {  	(tm) =	ssettm $0x7FFFFFFF  }
0xc3: {  	_ =	shalt  }
tec
execute0_lowered:
.L_overlay_start_1:
0x0: {  	(tag) =	ssettag $0x1  }
0x1: {  	s8 =	rddreg [dreg:$0x0]  }
0x2: {  	s1 =	rddreg [dreg:$0x1]  }
0x3: {  	s0 =	rddreg [dreg:$0x2];
	s3 =	simm.s32 $0x0;
	s2 =	srdreg.scid  }
0x4: {  	s14 =	simm.s32 $0x1000;
	s15 =	simm.s32 $0x50;
	s16 =	simm.s32 $0x2000  }
0x5: {  	s17 =	simm.s32 $0x80;
	s18 =	simm.s32 $0x4800;
	s19 =	simm.s32 $0x1  }
0x6: {  	s20 =	simm.s32 $0x2;
	s21 =	simm.s32 $0x1B00;
	s22 =	simm.s32 $0xC00  }
0x7: {  	s23 =	simm.s32 $0x1B80;
	s24 =	simm.s32 $0x1C00;
	[smem:$0x7FF] =	sst s3  }
0x8: {  	s9 =	sand.u32 $0x1, s2;
	s2 =	stileid.u32;
	s4 =	sadd.s32 $0x2B400, s8  }
0x9: {  	s5 =	sadd.s32 $0x17400, s8;
	s6 =	sadd.s32 $0x2800, s8;
	s10 =	smul.u32 $0x140000, s9  }
0xa: {  	s7 =	sadd.s32 $0x52600, s8;
	_ =	strace $0x8000004D;
	s11 =	smul.u32 $0x14000, s2  }
0xb: {  	s28 =	ssub.s32 $0x2, s9;
	s13 =	smul.u32 $0x50000, s2;
	s29 =	sshll.u32 s9, $0x4  }
0xc: {  	s31 =	sshll.u32 s2, $0x6;
	s12 =	sshrl.u32 s28, $0x1;
	s9 =	sor.u32 s2, s29  }
0xd: {  	s10 =	sadd.s32 s11, s10;
	s11 =	ssub.s32 s28, s12;
	s30 =	sshrl.u32 s13, $0x2  }
0xe: {  	s9 =	smul.u32 $0x5000, s9;
	s10 =	sshrl.u32 s10, $0x3;
	s13 =	sadd.s32 s30, s1  }
0xf: {  	s11 =	smax.u32 s11, $0x1;
	s10 =	sadd.s32 s10, s8;
	s8 =	sor.u32 $0x1C03, s31  }
0x10: {  	s12 =	sshrl.u32 s13, $0x3;
	s13 =	simm.s32 $0x3;
	s10 =	sadd.s32 $0x54E00, s10  }
.LBB2_1:
0x11: {  	[spmem:s12], [sflag:s8] =	dma.local [hbm:s7], $0x2800  }
0x12: {  	_ =	swait.ge [sflag:s13], $0x2800  }
0x13: {  	[sflag:s13] =	ssyncset.done $0x0  }
0x14: {  	[sflag:s13] =	ssyncadd.s32 $0xFFFFD800  }
0x15: {  	s25 =	simm.s32 $0x0;
	[bflag:$0x0] =	sbarrier.arrive $0xFFFF  }
.LBB2_2:
0x16: {  	s26 =	sshll.u32 s25, $0xC  }
0x17: {  	s26 =	sadd.s32 s9, s26  }
0x18: {  	s26 =	sshrl.u32 s26, $0x3  }
0x19: {  	s29 =	simm.s32 $0x0;
	s28 =	sadd.s32 s5, s26  }
0x1a: {  	[tilespmem:s29], [sflag:$0x3] =	stream.linear.gather [hbm4b:s28+s29], $0xC80, $0x38;
	[tilespmem:$0x1B000] =	vst v63  }
0x1b: {  	_ =	swait.ge [sflag:s13], $0xC80  }
0x1c: {  	[sflag:s13] =	ssyncset.done $0x0  }
0x1d: {  	s26 =	sadd.s32 s6, s26;
	[sflag:s13] =	ssyncadd.s32 $0xFFFFF380  }
0x1e: {  	[tilespmem:s14], [sflag:$0x3] =	stream.linear.gather [hbm4b:s26+s29], $0xC80, $0x38;
	[tilespmem:$0x1B000] =	vst v63  }
0x1f: {  	_ =	swait.ge [sflag:s13], $0xC80  }
0x20: {  	[sflag:s13] =	ssyncset.done $0x0  }
0x21: {  	[sflag:s13] =	ssyncadd.s32 $0xFFFFF380  }
0x22: {  	[tilespmem:s16], [sflag:$0x1] =	stream.indirect.gather [hbm4b:s4+s15], $0x80, s29, s15, $0xb8;
	[tilespmem:$0x1B000] =	vst v63  }
0x23: {  	_ = 	snop  }
0x24: {  	[tilespmem:s18], [sflag:$0x2] =	stream.indirect.gather [hbm4b:s4+s15], $0x80, s17, s15, $0xb8;
	[tilespmem:$0x1B000] =	vst v63  }
0x25: {  	_ =	swait.ge [sflag:s19], $0x2800  }
0x26: {  	[sflag:s19] =	ssyncset.done $0x0  }
0x27: {  	s29 =	simm.s32 $0x1000;
	[sflag:s19] =	ssyncadd.s32 $0xFFFFD800  }
0x28: {  	[spmem:s1] =	stream.indirect.scatter.add.f32 [tilespmem:s16], [sflag:$0x3], $0x80, s29, s15, $0xb8;
	[tilespmem:$0x1B000] =	vst v63  }
0x29: {  	_ =	swait.ge [sflag:s13], $0x2800  }
0x2a: {  	[sflag:s13] =	ssyncset.done $0x0  }
0x2b: {  	s30 =	simm.s32 $0x100;
	[sflag:s13] =	ssyncadd.s32 $0xFFFFD800  }
0x2c: {  	[tilespmem:s16], [sflag:$0x1] =	stream.indirect.gather [hbm4b:s4+s15], $0x80, s30, s15, $0xb8;
	[tilespmem:$0x1B000] =	vst v63  }
0x2d: {  	_ =	swait.ge [sflag:s20], $0x2800  }
0x2e: {  	[sflag:s20] =	ssyncset.done $0x0  }
0x2f: {  	s31 =	simm.s32 $0x1080;
	[sflag:s20] =	ssyncadd.s32 $0xFFFFD800  }
0x30: {  	[spmem:s1] =	stream.indirect.scatter.add.f32 [tilespmem:s18], [sflag:$0x3], $0x80, s31, s15, $0xb8;
	[tilespmem:$0x1B000] =	vst v63  }
0x31: {  	_ =	swait.ge [sflag:s13], $0x2800  }
0x32: {  	[sflag:s13] =	ssyncset.done $0x0  }
0x33: {  	s28 =	simm.s32 $0x180;
	s26 =	simm.s32 $0x400;
	[sflag:s13] =	ssyncadd.s32 $0xFFFFD800  }
.LBB2_3:
0x34: {  	[tilespmem:s18], [sflag:$0x2] =	stream.indirect.gather [hbm4b:s4+s15], $0x80, s28, s15, $0xb8;
	[tilespmem:$0x1B000] =	vst v63  }
0x35: {  	s28 =	smov.u32 s26  }
0x36: {  	p0 =	sne.s32 s26, $0x2800;
	s26 =	sadd.s32 $0x400, s26;
	_ =	swait.ge [sflag:s19], $0x2800  }
0x37: {  	s28 =	sshra.s32 s28, $0x2;
	[sflag:s19] =	ssyncset.done $0x0  }
0x38: {  	s29 =	sadd.s32 $0x1000, s28;
	[sflag:s19] =	ssyncadd.s32 $0xFFFFD800  }
0x39: {  	[spmem:s1] =	stream.indirect.scatter.add.f32 [tilespmem:s16], [sflag:$0x3], $0x80, s29, s15, $0xb8;
	[tilespmem:$0x1B000] =	vst v63  }
0x3a: {  	_ =	swait.ge [sflag:s13], $0x2800  }
0x3b: {  	[sflag:s13] =	ssyncset.done $0x0  }
0x3c: {  	s29 =	sadd.s32 $0x100, s28;
	[sflag:s13] =	ssyncadd.s32 $0xFFFFD800  }
0x3d: {  	[tilespmem:s16], [sflag:$0x1] =	stream.indirect.gather [hbm4b:s4+s15], $0x80, s29, s15, $0xb8;
	[tilespmem:$0x1B000] =	vst v63  }
0x3e: {  	_ =	swait.ge [sflag:s20], $0x2800  }
0x3f: {  	[sflag:s20] =	ssyncset.done $0x0  }
.Ltmp0:
0x40: {  	s29 =	sadd.s32 $0x1080, s28;
	[sflag:s20] =	ssyncadd.s32 $0xFFFFD800;
	(pc) =	sbr.rel @p0 .LBB2_3-.Ltmp0, $4  }
0x41: {  	[spmem:s1] =	stream.indirect.scatter.add.f32 [tilespmem:s18], [sflag:$0x3], $0x80, s29, s15, $0xb8;
	[tilespmem:$0x1B000] =	vst v63  }
0x42: {  	_ =	swait.ge [sflag:s13], $0x2800  }
0x43: {  	[sflag:s13] =	ssyncset.done $0x0  }
0x44: {  	s28 =	sadd.s32 $0x180, s28;
	[sflag:s13] =	ssyncadd.s32 $0xFFFFD800  }
0x45: {  	[tilespmem:s18], [sflag:$0x2] =	stream.indirect.gather [hbm4b:s4+s15], $0x80, s28, s15, $0xb8;
	[tilespmem:$0x1B000] =	vst v63  }
0x46: {  	_ =	swait.ge [sflag:s19], $0x2800  }
0x47: {  	[sflag:s19] =	ssyncset.done $0x0  }
0x48: {  	[sflag:s19] =	ssyncadd.s32 $0xFFFFD800  }
0x49: {  	[spmem:s1] =	stream.indirect.scatter.add.f32 [tilespmem:s16], [sflag:$0x3], $0x80, s21, s15, $0xb8;
	[tilespmem:$0x1B000] =	vst v63  }
0x4a: {  	_ =	swait.ge [sflag:s13], $0x2800  }
0x4b: {  	[sflag:s13] =	ssyncset.done $0x0  }
0x4c: {  	[sflag:s13] =	ssyncadd.s32 $0xFFFFD800  }
0x4d: {  	[tilespmem:s16], [sflag:$0x1] =	stream.indirect.gather [hbm4b:s4+s15], $0x80, s22, s15, $0xb8;
	[tilespmem:$0x1B000] =	vst v63  }
0x4e: {  	_ =	swait.ge [sflag:s20], $0x2800  }
0x4f: {  	[sflag:s20] =	ssyncset.done $0x0  }
0x50: {  	[sflag:s20] =	ssyncadd.s32 $0xFFFFD800  }
0x51: {  	[spmem:s1] =	stream.indirect.scatter.add.f32 [tilespmem:s18], [sflag:$0x3], $0x80, s23, s15, $0xb8;
	[tilespmem:$0x1B000] =	vst v63  }
0x52: {  	_ =	swait.ge [sflag:s13], $0x2800  }
0x53: {  	[sflag:s13] =	ssyncset.done $0x0  }
0x54: {  	[sflag:s13] =	ssyncadd.s32 $0xFFFFD800  }
0x55: {  	s25 =	sadd.s32 $0x1, s25;
	_ =	swait.ge [sflag:s19], $0x2800  }
0x56: {  	p0 =	sne.s32 s25, $0x5;
	[sflag:s19] =	ssyncset.done $0x0  }
.Ltmp1:
0x57: {  	[sflag:s19] =	ssyncadd.s32 $0xFFFFD800;
	(pc) =	sbr.rel @p0 .LBB2_2-.Ltmp1, $4  }
0x58: {  	[spmem:s1] =	stream.indirect.scatter.add.f32 [tilespmem:s16], [sflag:$0x3], $0x80, s24, s15, $0xb8;
	[tilespmem:$0x1B000] =	vst v63  }
0x59: {  	_ =	swait.ge [sflag:s13], $0x2800  }
0x5a: {  	[sflag:s13] =	ssyncset.done $0x0  }
0x5b: {  	[sflag:s13] =	ssyncadd.s32 $0xFFFFD800  }
0x5c: {  	s3 =	sadd.s32 $0x1, s3  }
0x5d: {  	p0 =	sne.s32 s3, s11  }
.Ltmp2:
0x5e: {  	[bflag:$0x0] =	sbarrier.arrive $0xFFFF;
	(pc) =	sbr.rel @p0 .LBB2_1-.Ltmp2, $4  }
0x5f: {  	[hbm:s10], [sflag:s8] =	dma.local [spmem:s12], $0x2800  }
0x60: {  	_ =	swait.ge [sflag:s13], $0x2800  }
0x61: {  	[sflag:s13] =	ssyncset.done $0x0  }
0x62: {  	[sflag:s13] =	ssyncadd.s32 $0xFFFFD800  }
0x63: {  	_ =	sfence.sel $0x180000  }
0x64: {  	[bflag:$0x0] =	sbarrier.arrive $0xFFFF  }
0x65: {  	p0 =	sne.s32 s2, $0x0;
	_ =	strace $0x9000004D  }
0x66: {  	s0 =	sadd.s32 @!p0 $0x100000, s0;
	[bflag:$0x2] =	sbarrier.arrive $0xFFFF  }
0x67: {  	[sflag:s0] =	ssyncadd.tile.s32 @!p0 $0x1;
	_ =	shalt  }
.Lfunc_end2:
_tile_overlayer_lowered:
.L_overlay_start_2:
0x68: {  	(tag) =	ssettag $0x2  }
0x69: {  	s0 =	rddreg [dreg:$0x0];
	s2 =	stileid.u32  }
0x6a: {  	s1 =	rddreg [dreg:$0x1];
	p0 =	sne.s32 s2, $0x0  }
0x6b: {  	s3 =	rddreg [dreg:$0x2];
	[bflag:$0x3] =	sbarrier.arrive $0xFFFF;
	s2 =	simm.s32 @!p0 $0x1C03  }
0x6c: {  	[timem:s3], [sflag:s2] =	dma.local @!p0 [hbm:s0], s1  }
0x6d: {  	s0 =	simm.s32 @!p0 $0x3  }
0x6e: {  	_ =	swait.ge @!p0 [sflag:s0], s1  }
0x6f: {  	s1 =	ssub.s32 @!p0 $0x0, s1;
	[sflag:s0] =	ssyncset.done @!p0 $0x0  }
0x70: {  	[sflag:s0] =	ssyncadd.s32 @!p0 s1  }
0x71: {  	[bflag:$0x3] =	sbarrier.arrive $0xFFFF  }
0x72: {  	_ =	shalt  }

// kernel: kernel.8.cloned.1.call-start
scs
__scs_entry_jumppad:
0x0: {  	(pc) =	sbr.rel $0x88, $3  }
0x1: {  	(tag) =	ssettag $0x0;
	lr =	simm.s32 $0x1  }
0x2: {  	[smem:$0x3F99] =	sst lr;
	_ =	strace $0xD0000000  }
0x3: {  	_ = 	snop  }
0x4: {  	_ = 	snop  }
0x5: {  	_ = 	snop  }
0x6: {  	_ = 	snop  }
0x7: {  	_ = 	snop  }
__scs_overlays_trampoline_lowered:
0x8: {  	[smem:$0x3FA8] =	sst s0  }
0x9: {  	[smem:$0x3FA9] =	sst s1  }
0xa: {  	[smem:$0x3FAA] =	sst s2  }
0xb: {  	[smem:$0x3FAB] =	sst s3  }
0xc: {  	[smem:$0x3FAC] =	sst s4  }
0xd: {  	[smem:$0x3FAD] =	sst s5  }
0xe: {  	[smem:$0x3FAE] =	sst s6  }
0xf: {  	[smem:$0x3FAF] =	sst s7  }
0x10: {  	[smem:$0x3FB0] =	sst s8  }
0x11: {  	[smem:$0x3FB1] =	sst s9;
	s0 =	simm.s32 @!p0 $0x0  }
0x12: {  	s1 =	sld [smem:$0x3F97];
	s0 =	simm.s32 @p0 $0x1  }
0x13: {  	[smem:$0x3FB2] =	sst s0;
	s0 =	simm.s32 @!p1 $0x0  }
0x14: {  	s2 =	sld [smem:$0x3F96];
	s0 =	simm.s32 @p1 $0x1  }
0x15: {  	[smem:$0x3FB3] =	sst s0;
	s0 =	simm.s32 @!p2 $0x0  }
0x16: {  	s3 =	sld [smem:$0x3FDB];
	s0 =	simm.s32 @p2 $0x1  }
0x17: {  	s4 =	simm.s32 $0x1BF5;
	[smem:$0x3FB5] =	sst s0  }
0x18: {  	s0 =	sld [smem:$0x3F98];
	_ =	swait.ge [sflag:s4], $0x0  }
0x19: {  	s7 =	sld [smem:$0x3F99]  }
0x1a: {  	s8 =	sadd.s32 $0xFFFFE003, lr  }
0x1b: {  	s9 =	sadd.s32 $0xFFFFFEF7, lr;
	s5 =	simm.s32 $0xFFFFFFFF;
	p2 =	slt.u32 s8, $0xFFFFF086  }
0x1c: {  	p1 =	slt.u32 s9, $0xF7A;
	s5 =	simm.s32 @!p2 $0x0  }
0x1d: {  	s5 =	simm.s32 @p1 $0x1;
	p0 =	seq.s32 s7, s2  }
0x1e: {  	s7 =	smul.u32 @!p0 $0xF7A, s2;
	p2 =	seq.s32 @!p0 s5, $0x0  }
0x1f: {  	s9 =	smul.u32 $0xF7A, s1;
	s8 =	simm.s32 @!p0 $0x1BF5;
	p2 =	por !p2, p0  }
0x20: {  	[sflag:s8] =	ssyncset.s32 @!p0 $0xFFFFF086;
	s6 =	sadd.s32 @!p0 s3, s7;
	s7 =	simm.s32 @!p0 $0x108  }
0x21: {  	s3 =	sadd.s32 s3, s9;
	s6 =	sadd.s32 @!p0 $0x88, s6;
	s7 =	simm.s32 @p2 $0x1082  }
0x22: {  	[simem:s7], [sflag:s8] =	dma.local @!p0 [hbm:s6], $0xF7A  }
0x23: {  	s9 =	sor.u32 $0xD0000000, s2;
	s6 =	simm.s32 $0x108;
	_ =	swait.ge @!p0 [sflag:s8], $0x0  }
0x24: {  	s3 =	sadd.s32 $0x88, s3;
	s6 =	simm.s32 @!p1 $0x1082;
	[sflag:s4] =	ssyncset.s32 $0xFFFFF086  }
0x25: {  	[simem:s6], [sflag:s4] =	dma.local [hbm:s3], $0xF7A  }
0x26: {  	[smem:$0x3F99] =	sst s1;
	(tag) =	ssettag s2;
	_ =	strace s9  }
0x27: {  	s1 =	sld [smem:$0x3FA9]  }
0x28: {  	s2 =	sld [smem:$0x3FAA]  }
0x29: {  	s4 =	sld [smem:$0x3FAC]  }
0x2a: {  	p0 =	seq.s32 s5, $0x0;
	s5 =	sld [smem:$0x3FAD]  }
0x2b: {  	s6 =	sld [smem:$0x3FAE]  }
0x2c: {  	s7 =	sld [smem:$0x3FAF]  }
0x2d: {  	s3 =	simm.s32 $0x108;
	s8 =	sld [smem:$0x3FB0]  }
0x2e: {  	s3 =	simm.s32 @!p0 $0x1082;
	s9 =	sld [smem:$0x3FB1]  }
0x2f: {  	lr =	sadd.s32 s0, s3;
	s0 =	sld [smem:$0x3FA8]  }
0x30: {  	s3 =	sld [smem:$0x3FAB]  }
0x31: {  	[smem:$0x3FB4] =	sst s10  }
0x32: {  	s10 =	sld [smem:$0x3FB2];
	_ =	sdelay $0x3  }
0x33: {  	p0 =	seq.s32 s10, $0x1;
	s10 =	sld [smem:$0x3FB4];
	_ =	sdelay $0x3  }
0x34: {  	[smem:$0x3FB4] =	sst s10  }
0x35: {  	s10 =	sld [smem:$0x3FB3];
	_ =	sdelay $0x3  }
0x36: {  	p1 =	seq.s32 s10, $0x1;
	s10 =	sld [smem:$0x3FB4];
	_ =	sdelay $0x3  }
0x37: {  	[smem:$0x3FB4] =	sst s10  }
0x38: {  	s10 =	sld [smem:$0x3FB5]  }
0x39: {  	_ = 	snop;
	(pc) =	sbr.ind lr, $3  }
0x3a: {  	_ = 	snop  }
0x3b: {  	_ = 	snop  }
0x3c: {  	p2 =	seq.s32 s10, $0x1;
	s10 =	sld [smem:$0x3FB4]  }
0x3d: {  	_ =	shalt  }
0x3e: {  	_ =	shalt  }
0x3f: {  	_ =	shalt  }
0x40: {  	_ =	shalt  }
0x41: {  	_ =	shalt  }
0x42: {  	_ =	shalt  }
0x43: {  	_ =	shalt  }
0x44: {  	_ =	shalt  }
0x45: {  	_ =	shalt  }
0x46: {  	_ =	shalt  }
0x47: {  	_ =	shalt  }
0x48: {  	_ =	shalt  }
0x49: {  	_ =	shalt  }
0x4a: {  	_ =	shalt  }
0x4b: {  	_ =	shalt  }
0x4c: {  	_ =	shalt  }
0x4d: {  	_ =	shalt  }
0x4e: {  	_ =	shalt  }
0x4f: {  	_ =	shalt  }
0x50: {  	_ =	shalt  }
0x51: {  	_ =	shalt  }
0x52: {  	_ =	shalt  }
0x53: {  	_ =	shalt  }
0x54: {  	_ =	shalt  }
0x55: {  	_ =	shalt  }
0x56: {  	_ =	shalt  }
0x57: {  	_ =	shalt  }
0x58: {  	_ =	shalt  }
0x59: {  	_ =	shalt  }
0x5a: {  	_ =	shalt  }
0x5b: {  	_ =	shalt  }
0x5c: {  	_ =	shalt  }
0x5d: {  	_ =	shalt  }
0x5e: {  	_ =	shalt  }
0x5f: {  	_ =	shalt  }
0x60: {  	_ =	shalt  }
0x61: {  	_ =	shalt  }
0x62: {  	_ =	shalt  }
0x63: {  	_ =	shalt  }
0x64: {  	_ =	shalt  }
0x65: {  	_ =	shalt  }
0x66: {  	_ =	shalt  }
0x67: {  	_ =	shalt  }
0x68: {  	_ =	shalt  }
0x69: {  	_ =	shalt  }
0x6a: {  	_ =	shalt  }
0x6b: {  	_ =	shalt  }
0x6c: {  	_ =	shalt  }
0x6d: {  	_ =	shalt  }
0x6e: {  	_ =	shalt  }
0x6f: {  	_ =	shalt  }
0x70: {  	_ =	shalt  }
0x71: {  	_ =	shalt  }
0x72: {  	_ =	shalt  }
0x73: {  	_ =	shalt  }
0x74: {  	_ =	shalt  }
0x75: {  	_ =	shalt  }
0x76: {  	_ =	shalt  }
0x77: {  	_ =	shalt  }
0x78: {  	_ =	shalt  }
0x79: {  	_ =	shalt  }
0x7a: {  	_ =	shalt  }
0x7b: {  	_ =	shalt  }
0x7c: {  	_ =	shalt  }
0x7d: {  	_ =	shalt  }
0x7e: {  	_ =	shalt  }
0x7f: {  	_ =	shalt  }
0x80: {  	_ =	shalt  }
0x81: {  	_ =	shalt  }
0x82: {  	_ =	shalt  }
0x83: {  	_ =	shalt  }
0x84: {  	_ =	shalt  }
0x85: {  	_ =	shalt  }
0x86: {  	_ =	shalt  }
0x87: {  	_ =	shalt  }
.Lfunc_end0:
.L_simem_size_0:
called_computation_lowered:
.L_overlay_start_0:
0x88: {  	s2 =	sld [smem:$0x3FD9]  }
0x89: {  	s3 =	sld [smem:$0x3FFE];
	_ =	sdelay $0x1  }
0x8a: {  	s1 =	srdreg.scid  }
0x8b: {  	s0 =	sand.u32 $0x1, s1  }
0x8c: {  	s17 =	sshll.u32 s0, $0xA;
	s2 =	sadd.s32 s3, s2  }
0x8d: {  	s2 =	sadd.s32 s2, s17  }
0x8e: {  	[smem:$0x3FC0] =	sst s2  }
0x8f: {  	_ = 	snop  }
0x90: {  	s2 =	sld [smem:$0x3FD0];
	(tm) =	ssettm $0x1  }
0x91: {  	s18 =	sld [smem:$0x3FFB];
	_ =	sdelay $0x3  }
0x92: {  	_ =	strace s18  }
0x93: {  	s3 =	sld [smem:$0x3FFC];
	_ =	sdelay $0x3  }
0x94: {  	_ =	strace s3  }
0x95: {  	s3 =	sld [smem:$0x3FFD];
	_ =	sdelay $0x3  }
0x96: {  	_ =	strace s3  }
0x97: {  	_ =	strace $0x8FFFFFFF  }
0x98: {  	s19 =	sld [smem:$0x3FDB];
	_ =	sdelay $0x1  }
0x99: {  	s4 =	simm.s32 $_scs_section_size  }
0x9a: {  	s5 =	simm.s32 $_size__tile_overlayer_lowered;
	s6 =	simm.s32 $_tile_overlayer_lowered  }
0x9b: {  	s22 =	simm.s32 $0x1BFF;
	s21 =	sshll.u32 s6, $0x1;
	s3 =	sadd.s32 s4, s19  }
0x9c: {  	s7 =	simm.s32 $0x0;
	s20 =	sshll.u32 s5, $0x1;
	s5 =	sadd.s32 s21, s3  }
0x9d: {  	[timem:s7], [sflag:s22] =	dma.local [hbm:s5], s20  }
0x9e: {  	_ =	swait.ge [sflag:s22], s20  }
0x9f: {  	s4 =	ssub.s32 $0x0, s20;
	[sflag:s22] =	ssyncset.done $0x0  }
0xa0: {  	[sflag:s22] =	ssyncadd.s32 s4;
	_ =	sdelay $0x1  }
0xa1: {  	s23 =	simm.s32 $0x1B8B  }
0xa2: {  	_ =	swait.ge [sflag:s23], $0x1  }
0xa3: {  	[sflag:s23] =	ssyncset.done $0x0  }
0xa4: {  	s25 =	simm.s32 $0x1B8E;
	s24 =	sld [smem:$0x3FFE];
	[sflag:s23] =	ssyncadd.s32 $0xFFFFFFFF  }
0xa5: {  	s26 =	simm.s32 $execute0_lowered;
	[smem:$0x3FD2] =	sst s25  }
0xa6: {  	s5 =	sshll.u32 s26, $0x1;
	_ =	strace $0x80000046;
	[dreg:$0x1] =	wrdreg $0xFFFFFFFF  }
0xa7: {  	s28 =	simm.s32 $_size_execute0_lowered;
	s3 =	sadd.s32 s3, s5;
	[dreg:$0x0] =	wrdreg $0x0  }
0xa8: {  	s5 =	sshll.u32 s28, $0x1;
	[dreg:$0x2] =	wrdreg s3  }
0xa9: {  	[dreg:$0x3] =	wrdreg s5  }
0xaa: {  	[dreg:$0x4] =	wrdreg $0xC0  }
0xab: {  	_ =	task [dreg:s7], $0x5FFFF  }
0xac: {  	[dreg:$0x1] =	wrdreg $0xFFFFFFFF  }
0xad: {  	[dreg:$0x0] =	wrdreg $0x60  }
0xae: {  	[dreg:$0x2] =	wrdreg s24  }
0xaf: {  	[dreg:$0x3] =	wrdreg s2  }
0xb0: {  	[dreg:$0x4] =	wrdreg $0x50800  }
0xb1: {  	[dreg:$0x5] =	wrdreg $0x9  }
0xb2: {  	_ =	task.clear_ibuf [dreg:s7], $0x6FFFF;
	_ =	strace $0x90000046  }
0xb3: {  	s29 =	simm.s32 $0x9;
	_ =	strace $0x80000048  }
0xb4: {  	_ =	swait.ge [sflag:s29], $0x1  }
0xb5: {  	[sflag:s29] =	ssyncadd.s32 $0xFFFFFFFF  }
0xb6: {  	_ =	strace $0x90000048  }
0xb7: {  	_ =	sfence  }
0xb8: {  	s30 =	sld [smem:$0x0];
	_ =	sdelay $0x2  }
0xb9: {  	s31 =	sshll.u32 s1, $0xD;
	s1 =	sshrl.u32 s1, $0x2  }
0xba: {  	s3 =	sand.u32 $0x4000, s31;
	s1 =	sadd.s32 s1, s30  }
0xbb: {  	s0 =	sor.u32 s3, s0;
	s1 =	sshll.u32 s1, $0x11  }
0xbc: {  	s0 =	sor.u32 s1, s0  }
0xbd: {  	s0 =	sadd.s32 $0x8F2B, s0  }
0xbe: {  	[sflag:s0] =	ssyncadd.remote.s32 $0x1  }
0xbf: {  	_ =	sfence.sel $0xFFFF  }
0xc0: {  	[dreg:$0x0] =	wrdreg $0xFFFFFFFF;
	(pc) =	sbr.abs _section_cstart, $3  }
0xc1: {  	[dreg:$0x1] =	wrdreg $0xFFFFFFFF  }
0xc2: {  	_ =	task.clear_ibuf [dreg:s7], $0x2FFFF;
	_ =	strace $0x9FFFFFFF  }
0xc3: {  	(tm) =	ssettm $0x7FFFFFFF  }
tec
execute0_lowered:
.L_overlay_start_1:
0x0: {  	(tag) =	ssettag $0x1  }
0x1: {  	s6 =	rddreg [dreg:$0x0]  }
0x2: {  	s2 =	rddreg [dreg:$0x1]  }
0x3: {  	s0 =	srdreg.scid;
	s3 =	rddreg [dreg:$0x2]  }
0x4: {  	s4 =	simm.s32 $0x0;
	s12 =	simm.s32 $0x1000;
	s14 =	simm.s32 $0x2000  }
0x5: {  	s16 =	simm.s32 $0x3000;
	s18 =	simm.s32 $0x4000;
	s21 =	simm.s32 $0x50  }
0x6: {  	s22 =	simm.s32 $0x20;
	s23 =	simm.s32 $0x10;
	s24 =	simm.s32 $0x0  }
0x7: {  	s5 =	sand.u32 $0x1, s0;
	s0 =	stileid.u32;
	[smem:$0x7FF] =	sst s4  }
0x8: {  	s1 =	sshll.u32 s5, $0x4;
	s8 =	smul.u32 $0x500, s0;
	s9 =	sshll.u32 s5, $0x7  }
0x9: {  	s31 =	ssub.s32 $0x2, s5;
	s10 =	smul.u32 $0xA00, s0;
	s5 =	sadd.s32 $0x16800, s6  }
0xa: {  	s19 =	sshll.u32 s0, $0x6;
	s7 =	sor.u32 s0, s1;
	s1 =	rddreg [dreg:$0x3]  }
0xb: {  	_ =	strace $0x80000047;
	s11 =	sshrl.u32 s31, $0x1;
	s19 =	sor.u32 $0x1C01, s19  }
0xc: {  	s7 =	smul.u32 $0xA00, s7;
	s8 =	sor.u32 s9, s8;
	s10 =	sshrl.u32 s10, $0x2  }
0xd: {  	s9 =	ssub.s32 s31, s11;
	s8 =	sshrl.u32 s8, $0x3;
	s20 =	sadd.s32 s10, s3  }
0xe: {  	s10 =	simm.s32 $0x1;
	s7 =	sadd.s32 s7, s6;
	s8 =	sadd.s32 s8, s6  }
0xf: {  	s20 =	sshrl.u32 s20, $0x3;
	s6 =	sadd.s32 $0x2800, s7;
	s7 =	sadd.s32 $0x16A00, s8  }
0x10: {  	s8 =	smax.u32 s9, $0x1;
	s9 =	simm.s32 $0x5000;
	s11 =	sadd.s32 $0x200, s6  }
0x11: {  	s13 =	sadd.s32 $0x400, s6;
	s15 =	sadd.s32 $0x600, s6;
	s17 =	sadd.s32 $0x800, s6  }
.LBB2_1:
0x12: {  	[tilespmem:s9], [sflag:$0x1] =	stream.linear.gather [hbm4b:s5+s4], $0x80, $0x38;
	[tilespmem:$0x5300] =	vst v63  }
0x13: {  	_ =	swait.ge [sflag:s10], $0x80  }
0x14: {  	[sflag:s10] =	ssyncset.done $0x0  }
0x15: {  	[sflag:s10] =	ssyncadd.s32 $0xFFFFFF80  }
0x16: {  	[tilespmem:s4], [sflag:$0x1] =	stream.linear.gather [hbm4b:s6+s4], $0xC80, $0x38;
	[tilespmem:$0x5300] =	vst v63  }
0x17: {  	_ = 	snop  }
0x18: {  	[tilespmem:s12], [sflag:$0x1] =	stream.linear.gather [hbm4b:s11+s4], $0xC80, $0x38;
	[tilespmem:$0x5300] =	vst v63  }
0x19: {  	_ = 	snop  }
0x1a: {  	[tilespmem:s14], [sflag:$0x1] =	stream.linear.gather [hbm4b:s13+s4], $0xC80, $0x38;
	[tilespmem:$0x5300] =	vst v63  }
0x1b: {  	_ = 	snop  }
0x1c: {  	[tilespmem:s16], [sflag:$0x1] =	stream.linear.gather [hbm4b:s15+s4], $0xC80, $0x38;
	[tilespmem:$0x5300] =	vst v63  }
0x1d: {  	_ = 	snop  }
0x1e: {  	[tilespmem:s18], [sflag:$0x1] =	stream.linear.gather [hbm4b:s17+s4], $0xC80, $0x38;
	[tilespmem:$0x5300] =	vst v63  }
0x1f: {  	_ =	swait.ge [sflag:s10], $0x3E80  }
0x20: {  	[sflag:s10] =	ssyncset.done $0x0  }
0x21: {  	[sflag:s10] =	ssyncadd.s32 $0xFFFFC180  }
0x22: {  	[spmem:s20], [sflag:s19] =	dma.local [hbm:s2], $0x50  }
0x23: {  	_ =	swait.ge [sflag:s10], $0x50  }
0x24: {  	[sflag:s10] =	ssyncset.done $0x0  }
0x25: {  	[sflag:s10] =	ssyncadd.s32 $0xFFFFFFB0  }
0x26: {  	s25 =	simm.s32 $0x0;
	[bflag:$0x0] =	sbarrier.arrive $0xFFFF  }
0x27: {  	[spmem:s3] =	stream.indirect.scatter.add.f32 [tilespmem:s9], [sflag:$0x1], $0x1, s25, s21, $0xb8;
	[tilespmem:$0x5300] =	vst v63  }
0x28: {  	_ =	swait.ge [sflag:s10], $0x50  }
0x29: {  	s25 =	simm.s32 $0x200;
	[sflag:s10] =	ssyncset.done $0x0  }
.LBB2_2:
0x2a: {  	s26 =	sshra.s32 s25, $0x2;
	[sflag:s10] =	ssyncadd.s32 $0xFFFFFFB0;
	p0 =	sne.s32 s25, $0x3000  }
0x2b: {  	[spmem:s3] =	stream.indirect.scatter.add.f32 [tilespmem:s9], [sflag:$0x1], $0x1, s26, s21, $0xb8;
	[tilespmem:$0x5300] =	vst v63  }
.Ltmp0:
0x2c: {  	_ = 	snop;
	(pc) =	sbr.rel @p0 .LBB2_2-.Ltmp0, $4  }
0x2d: {  	_ = 	snop  }
0x2e: {  	s25 =	sadd.s32 $0x200, s25  }
0x2f: {  	_ =	swait.ge [sflag:s10], $0x50  }
0x30: {  	[sflag:s10] =	ssyncset.done $0x0  }
0x31: {  	[sflag:s10] =	ssyncadd.s32 $0xFFFFFFB0;
	s25 =	simm.s32 $0x1000  }
0x32: {  	[spmem:s3] =	stream.indirect.scatter.add.f32 [tilespmem:s9], [sflag:$0x1], $0x1, s25, s21, $0xb8;
	[tilespmem:$0x5300] =	vst v63  }
0x33: {  	s25 =	simm.s32 $0x200;
	_ =	swait.ge [sflag:s10], $0x50  }
.LBB2_4:
0x34: {  	s26 =	sshra.s32 s25, $0x2;
	[sflag:s10] =	ssyncset.done $0x0;
	p0 =	sne.s32 s25, $0x3000  }
.Ltmp1:
0x35: {  	s26 =	sadd.s32 $0x1000, s26;
	[sflag:s10] =	ssyncadd.s32 $0xFFFFFFB0;
	(pc) =	sbr.rel @p0 .LBB2_4-.Ltmp1, $3  }
0x36: {  	[spmem:s3] =	stream.indirect.scatter.add.f32 [tilespmem:s9], [sflag:$0x1], $0x1, s26, s21, $0xb8;
	[tilespmem:$0x5300] =	vst v63  }
0x37: {  	s25 =	sadd.s32 $0x200, s25;
	_ =	sdelay $0x1  }
0x38: {  	_ =	swait.ge [sflag:s10], $0x50  }
0x39: {  	[sflag:s10] =	ssyncset.done $0x0  }
0x3a: {  	s25 =	simm.s32 $0x2000;
	[sflag:s10] =	ssyncadd.s32 $0xFFFFFFB0  }
0x3b: {  	[spmem:s3] =	stream.indirect.scatter.add.f32 [tilespmem:s9], [sflag:$0x1], $0x1, s25, s21, $0xb8;
	[tilespmem:$0x5300] =	vst v63  }
0x3c: {  	s25 =	simm.s32 $0x200;
	_ =	swait.ge [sflag:s10], $0x50  }
.LBB2_6:
0x3d: {  	s26 =	sshra.s32 s25, $0x2;
	[sflag:s10] =	ssyncset.done $0x0;
	p0 =	sne.s32 s25, $0x3000  }
.Ltmp2:
0x3e: {  	s26 =	sadd.s32 $0x2000, s26;
	[sflag:s10] =	ssyncadd.s32 $0xFFFFFFB0;
	(pc) =	sbr.rel @p0 .LBB2_6-.Ltmp2, $3  }
0x3f: {  	[spmem:s3] =	stream.indirect.scatter.add.f32 [tilespmem:s9], [sflag:$0x1], $0x1, s26, s21, $0xb8;
	[tilespmem:$0x5300] =	vst v63  }
0x40: {  	s25 =	sadd.s32 $0x200, s25;
	_ =	sdelay $0x1  }
0x41: {  	_ =	swait.ge [sflag:s10], $0x50  }
0x42: {  	[sflag:s10] =	ssyncset.done $0x0  }
0x43: {  	s25 =	simm.s32 $0x3000;
	[sflag:s10] =	ssyncadd.s32 $0xFFFFFFB0  }
0x44: {  	[spmem:s3] =	stream.indirect.scatter.add.f32 [tilespmem:s9], [sflag:$0x1], $0x1, s25, s21, $0xb8;
	[tilespmem:$0x5300] =	vst v63  }
0x45: {  	s25 =	simm.s32 $0x200;
	_ =	swait.ge [sflag:s10], $0x50  }
.LBB2_8:
0x46: {  	s26 =	sshra.s32 s25, $0x2;
	[sflag:s10] =	ssyncset.done $0x0;
	p0 =	sne.s32 s25, $0x3000  }
.Ltmp3:
0x47: {  	s26 =	sadd.s32 $0x3000, s26;
	[sflag:s10] =	ssyncadd.s32 $0xFFFFFFB0;
	(pc) =	sbr.rel @p0 .LBB2_8-.Ltmp3, $3  }
0x48: {  	[spmem:s3] =	stream.indirect.scatter.add.f32 [tilespmem:s9], [sflag:$0x1], $0x1, s26, s21, $0xb8;
	[tilespmem:$0x5300] =	vst v63  }
0x49: {  	s25 =	sadd.s32 $0x200, s25;
	_ =	sdelay $0x1  }
0x4a: {  	_ =	swait.ge [sflag:s10], $0x50  }
0x4b: {  	[sflag:s10] =	ssyncset.done $0x0  }
0x4c: {  	s25 =	simm.s32 $0x4000;
	[sflag:s10] =	ssyncadd.s32 $0xFFFFFFB0  }
0x4d: {  	[spmem:s3] =	stream.indirect.scatter.add.f32 [tilespmem:s9], [sflag:$0x1], $0x1, s25, s21, $0xb8;
	[tilespmem:$0x5300] =	vst v63  }
0x4e: {  	s25 =	simm.s32 $0x200;
	_ =	swait.ge [sflag:s10], $0x50  }
.LBB2_10:
0x4f: {  	s26 =	sshra.s32 s25, $0x2;
	[sflag:s10] =	ssyncset.done $0x0;
	p0 =	sne.s32 s25, $0x3000  }
.Ltmp4:
0x50: {  	s26 =	sadd.s32 $0x4000, s26;
	[sflag:s10] =	ssyncadd.s32 $0xFFFFFFB0;
	(pc) =	sbr.rel @p0 .LBB2_10-.Ltmp4, $3  }
0x51: {  	[spmem:s3] =	stream.indirect.scatter.add.f32 [tilespmem:s9], [sflag:$0x1], $0x1, s26, s21, $0xb8;
	[tilespmem:$0x5300] =	vst v63  }
0x52: {  	s25 =	sadd.s32 $0x200, s25;
	_ =	sdelay $0x1  }
0x53: {  	_ =	swait.ge [sflag:s10], $0x50  }
0x54: {  	[sflag:s10] =	ssyncset.done $0x0;
	s24 =	sadd.s32 $0x1, s24  }
0x55: {  	[sflag:s10] =	ssyncadd.s32 $0xFFFFFFB0;
	p0 =	sne.s32 s24, s8  }
.Ltmp5:
0x56: {  	[bflag:$0x0] =	sbarrier.arrive $0xFFFF;
	(pc) =	sbr.rel @p0 .LBB2_1-.Ltmp5, $4  }
0x57: {  	[hbm:s7@s22], [sflag:s19] =	dma.strided [spmem:s20@s23], $0x50, s10, $0x10   }
0x58: {  	_ =	swait.ge [sflag:s10], $0x50  }
0x59: {  	[sflag:s10] =	ssyncset.done $0x0  }
0x5a: {  	[sflag:s10] =	ssyncadd.s32 $0xFFFFFFB0  }
0x5b: {  	_ =	sfence.sel $0x180000  }
0x5c: {  	[bflag:$0x0] =	sbarrier.arrive $0xFFFF  }
0x5d: {  	p0 =	sne.s32 s0, $0x0;
	_ =	strace $0x90000047  }
0x5e: {  	s0 =	sadd.s32 @!p0 $0x100000, s1;
	[bflag:$0x2] =	sbarrier.arrive $0xFFFF  }
0x5f: {  	[sflag:s0] =	ssyncadd.tile.s32 @!p0 $0x1;
	_ =	shalt  }
.Lfunc_end2:
_tile_overlayer_lowered:
.L_overlay_start_2:
0x60: {  	(tag) =	ssettag $0x2  }
0x61: {  	s0 =	rddreg [dreg:$0x0];
	s2 =	stileid.u32  }
0x62: {  	s1 =	rddreg [dreg:$0x1];
	p0 =	sne.s32 s2, $0x0  }
0x63: {  	s3 =	rddreg [dreg:$0x2];
	[bflag:$0x3] =	sbarrier.arrive $0xFFFF;
	s2 =	simm.s32 @!p0 $0x1C01  }
0x64: {  	[timem:s3], [sflag:s2] =	dma.local @!p0 [hbm:s0], s1  }
0x65: {  	s0 =	simm.s32 @!p0 $0x1  }
0x66: {  	_ =	swait.ge @!p0 [sflag:s0], s1  }
0x67: {  	s1 =	ssub.s32 @!p0 $0x0, s1;
	[sflag:s0] =	ssyncset.done @!p0 $0x0  }
0x68: {  	[sflag:s0] =	ssyncadd.s32 @!p0 s1  }
0x69: {  	[bflag:$0x3] =	sbarrier.arrive $0xFFFF  }
0x6a: {  	_ =	shalt  }

</sc_bundles>
